<compile_context>
chip_gen: v7x
topology: tpu7x:2x2x1
jax: 0.10.2.dev20260603
libtpu: 0.0.44.dev20260713+nightly
codegen_flags: <defaults>
</compile_context>

<pallas_src>
import functools

import jax
import jax.numpy as jnp
from jax import lax
from jax.experimental import pallas as pl
from jax.experimental.pallas import tpu as pltpu
from jax.experimental.pallas import tpu_sc as plsc

NC = 2
NS = 16
L = 16
NW = NC * NS

C = 32
PIECE = 80


def _sc_scores_kernel(B, P, D):
    assert B % NW == 0
    bpw = B // NW
    assert bpw % C == 0
    n_chunks = bpw // C
    cp = C * P
    n_pieces = -(-cp // PIECE)
    assert cp % PIECE == 0
    n_seg = D // L

    mesh = plsc.VectorSubcoreMesh(
        core_axis_name="c", subcore_axis_name="s",
        num_cores=NC, num_subcores=NS)

    @functools.partial(
        pl.kernel,
        out_type=jax.ShapeDtypeStruct((B * P,), jnp.float32),
        mesh=mesh,
        compiler_params=pltpu.CompilerParams(needs_layout_passes=False),
        scratch_types=[
            pltpu.VMEM((C,), jnp.int32),
            pltpu.VMEM((cp,), jnp.int32),
            pltpu.VMEM((C,), jnp.int32),
            pltpu.VMEM((cp,), jnp.int32),
            pltpu.VMEM((C, 2 * D), jnp.float32),
            pltpu.VMEM((cp, 2 * D), jnp.float32),
            pltpu.VMEM((cp,), jnp.float32),
            pltpu.SemaphoreType.DMA,
        ],
    )
    def sc_kernel(pinpar_hbm, cidxpar_hbm, pinp_hbm, cidxp_hbm, w_hbm, v_hbm,
                  out_hbm, pinp_v, cidxp_v, pinpar_v, cidxpar_v,
                  in_rows, ctx_rows, scores_v, sem):
        wid = lax.axis_index("s") * NC + lax.axis_index("c")
        base_b = wid * bpw
        zeros = jnp.zeros((L,), jnp.float32)

        def chunk_body(ci, _):
            b0 = base_b + ci * C
            p0 = b0 * P
            pltpu.sync_copy(pinp_hbm.at[pl.ds(b0, C)], pinp_v)
            pltpu.sync_copy(cidxp_hbm.at[pl.ds(p0, cp)], cidxp_v)
            pltpu.sync_copy(pinpar_hbm.at[pl.ds(b0, C)], pinpar_v)
            pltpu.sync_copy(cidxpar_hbm.at[pl.ds(p0, cp)], cidxpar_v)
            copies = [pltpu.async_copy(w_hbm.at[pinp_v], in_rows, sem)]
            for k in range(n_pieces):
                copies.append(pltpu.async_copy(
                    v_hbm.at[cidxp_v.at[pl.ds(k * PIECE, PIECE)]],
                    ctx_rows.at[pl.ds(k * PIECE, PIECE), :], sem))
            for cpy in copies:
                cpy.wait()

            def zero_body(k, _):
                scores_v[pl.ds(k * L, L)] = zeros
                return 0

            lax.fori_loop(0, cp // L, zero_body, 0)

            iota16 = lax.iota(jnp.int32, L)

            def row_body(i, _):
                ifull = jnp.full((L,), i, jnp.int32)
                ipar = plsc.load_gather(pinpar_v, [ifull])
                icb = ipar * D + iota16
                segs = [plsc.load_gather(in_rows, [ifull, icb + s * L])
                        for s in range(n_seg)]
                r0 = i * P
                for j in range(P):
                    r = r0 + j
                    rfull = jnp.full((L,), r, jnp.int32)
                    cpar = plsc.load_gather(cidxpar_v, [rfull])
                    ccb = cpar * D + iota16
                    acc = plsc.load_gather(ctx_rows, [rfull, ccb]) * segs[0]
                    for s in range(1, n_seg):
                        acc = acc + plsc.load_gather(
                            ctx_rows, [rfull, ccb + s * L]) * segs[s]
                    plsc.addupdate_scatter(scores_v, [rfull], acc)
                return 0

            lax.fori_loop(0, C, row_body, 0)
            pltpu.sync_copy(scores_v, out_hbm.at[pl.ds(p0, cp)])
            return 0

        lax.fori_loop(0, n_chunks, chunk_body, 0)

    return sc_kernel


def _tc_loss_kernel(scores_ref, out_ref, *, n_pos, P, B):
    x = scores_ref[...]
    rows, cols = x.shape
    flat = (lax.broadcasted_iota(jnp.int32, (rows, cols), 0) * cols
            + lax.broadcasted_iota(jnp.int32, (rows, cols), 1))
    is_pos = (flat % P) < n_pos
    y = jnp.clip(x, -10.0, 10.0)
    t = jnp.where(is_pos, -y, y)
    f = jnp.log1p(jnp.exp(t))
    out_ref[0, 0] = jnp.sum(f) * (1.0 / B)


def kernel(W, V, pos_input, pos_target, neg):
    B = pos_input.shape[0]
    n_pos = pos_target.shape[1]
    n_neg = neg.shape[1]
    P = n_pos + n_neg
    D = W.shape[1]
    n_words = W.shape[0]

    Wg = W.reshape(n_words // 2, 2 * D)
    Vg = V.reshape(n_words // 2, 2 * D)
    ctx_idx = jnp.concatenate([pos_target, neg], axis=1).reshape(-1)
    ctx_phys = ctx_idx >> 1
    pin_phys = pos_input >> 1
    ctx_par = ctx_idx & 1
    pin_par = pos_input & 1

    sc = _sc_scores_kernel(B, P, D)
    scores = sc(pin_par, ctx_par, pin_phys, ctx_phys, Wg, Vg)

    total = B * P
    cols = 128
    rows = total // cols
    scores2d = scores.reshape(rows, cols)

    out = pl.pallas_call(
        functools.partial(_tc_loss_kernel, n_pos=n_pos, P=P, B=B),
        out_shape=jax.ShapeDtypeStruct((1, 1), jnp.float32),
        in_specs=[pl.BlockSpec(memory_space=pltpu.VMEM)],
        out_specs=pl.BlockSpec(memory_space=pltpu.SMEM),
    )(scores2d)
    return out[0, 0]

# --- scband reference (transcript-rebuilt; emitter-appended) ---
"""Pipeline reference for scband-word2vector-69088843924148 (READ-ONLY COPY).

The authoritative reference and input builder live on the scoring server;
editing this copy changes nothing except your own understanding.
"""

import jax, jax.numpy as jnp
import numpy as np

NUM_WORDS = 1000000
D = 64
B = 16384
W_CTX = 5
N_NEG = 20


def setup_inputs(seed: int = 0) -> dict:
    key = jax.random.key(seed)
    k1, k2, k3, k4 = jax.random.split(key, 4)
    init_range = 1.0 / D
    W = jax.random.uniform(k1, (NUM_WORDS, D), dtype=jnp.float32,
                           minval=-init_range, maxval=init_range)
    V = jnp.zeros((NUM_WORDS, D), dtype=jnp.float32)
    pos_input = jax.random.randint(k2, (B,), 0, NUM_WORDS, dtype=jnp.int64 if jax.config.read('jax_enable_x64') else jnp.int32).astype(jnp.int32)
    pos_target = jax.random.randint(k3, (B, W_CTX), 0, NUM_WORDS).astype(jnp.int32)
    neg = jax.random.randint(k4, (B, N_NEG), 0, NUM_WORDS).astype(jnp.int32)
    return {"W": W, "V": V, "pos_input": pos_input,
            "pos_target": pos_target, "neg": neg}


def reference(W, V, pos_input, pos_target, neg):
    # in_ = self.W(pos_input)
    in_ = jnp.take(W, pos_input, axis=0)            # [B, D]
    # target = self.V(pos_target)
    target = jnp.take(V, pos_target, axis=0)        # [B, W_CTX, D]
    # neg_in = self.V(neg)
    neg_in = jnp.take(V, neg, axis=0)               # [B, N_NEG, D]
    # score = torch.bmm(target, in_.unsqueeze(2)).squeeze()
    score = jnp.einsum('bwd,bd->bw', target, in_)   # [B, W_CTX]
    score = jnp.clip(score, -10.0, 10.0)
    score = -jnp.sum(jax.nn.log_sigmoid(score), axis=1)
    # neg_score = torch.bmm(neg_in, in_.unsqueeze(2)).squeeze()
    neg_score = jnp.einsum('bnd,bd->bn', neg_in, in_)  # [B, N_NEG]
    neg_score = jnp.clip(neg_score, -10.0, 10.0)
    neg_score = -jnp.sum(jax.nn.log_sigmoid(-neg_score), axis=1)
    return jnp.mean(score + neg_score)

if __name__ == "__main__":
    import jax
    _d = setup_inputs()
    print(jax.jit(kernel)(*tuple(_d.values())))

</pallas_src>

<mosaic_0001>
#map = affine_map<(d0, d1) -> (0)>
#map1 = affine_map<(d0, d1) -> (0, 0)>
module attributes {stable_mosaic.version = 14 : i64} {
  func.func @sc_kernel(%arg0: i32, %arg1: i32, %arg2: memref<16384xi32, #tpu.memory_space<hbm>>, %arg3: memref<409600xi32, #tpu.memory_space<hbm>>, %arg4: memref<16384xi32, #tpu.memory_space<hbm>>, %arg5: memref<409600xi32, #tpu.memory_space<hbm>>, %arg6: memref<500000x128xf32, #tpu.memory_space<hbm>>, %arg7: memref<500000x128xf32, #tpu.memory_space<hbm>>, %arg8: memref<409600xf32, #tpu.memory_space<hbm>>, %arg9: memref<32xi32, #tpu.memory_space<vmem>>, %arg10: memref<800xi32, #tpu.memory_space<vmem>>, %arg11: memref<32xi32, #tpu.memory_space<vmem>>, %arg12: memref<800xi32, #tpu.memory_space<vmem>>, %arg13: memref<32x128xf32, #tpu.memory_space<vmem>>, %arg14: memref<800x128xf32, #tpu.memory_space<vmem>>, %arg15: memref<800xf32, #tpu.memory_space<vmem>>, %arg16: memref<!tpu.dma_semaphore, #tpu.memory_space<semaphore_mem>>) attributes {dimension_semantics = [#tpu.dimension_semantics<core_parallel>, #tpu.dimension_semantics<subcore_parallel>], iteration_bounds = array<i64: 2, 16>, scalar_prefetch = 0 : i64, scratch_operands = 8 : i64, tpu.core_type = #tpu.core_type<sc_vector_subcore>, window_params = [{transform_indices = #map}, {transform_indices = #map}, {transform_indices = #map}, {transform_indices = #map}, {transform_indices = #map1}, {transform_indices = #map1}, {transform_indices = #map}]} {
    %mul3A = arith.constant 2 : i32
    %mul3A_0 = arith.muli %arg1, %mul3A : i32
    %add3A = arith.addi %mul3A_0, %arg0 : i32
    %mul3A_1 = arith.constant 512 : i32
    %mul3A_2 = arith.muli %add3A, %mul3A_1 : i32
    %broadcast_in_dim3A = arith.constant 0.000000e+00 : f32
    %broadcast_in_dim3A_3 = vector.broadcast %broadcast_in_dim3A : f32 to vector<16xf32>
    %scan3A = arith.constant 0 : i32
    %scan3A_4 = arith.constant 0 : i32
    %scan3A_5 = arith.constant 16 : i32
    %scan3A_6 = arith.addi %scan3A_4, %scan3A_5 : i32
    %scan3A_7 = arith.constant 1 : i32
    %scan3A_8 = scf.for %scan3A_10 = %scan3A_4 to %scan3A_6 step %scan3A_7 iter_args(%scan3A_11 = %scan3A) -> (i32)  : i32 {
      %mul3A_12 = arith.constant 32 : i32
      %mul3A_13 = arith.muli %scan3A_10, %mul3A_12 : i32
      %add3A_14 = arith.addi %mul3A_2, %mul3A_13 : i32
      %mul3A_15 = arith.constant 25 : i32
      %mul3A_16 = arith.muli %add3A_14, %mul3A_15 : i32
      "tpu.region"() ({
        %run_scoped3A = tpu.sem_alloc : memref<!tpu.dma_semaphore, #tpu.memory_space<semaphore_mem>>
        %dma_start3A_196 = tpu.memref_slice %arg4[%add3A_14] : memref<16384xi32, #tpu.memory_space<hbm>> -> memref<32xi32, #tpu.memory_space<hbm>>
        %dma_start3A_197 = tpu.memref_slice %arg4[%add3A_14] : memref<16384xi32, #tpu.memory_space<hbm>> -> memref<32xi32, #tpu.memory_space<hbm>>
        tpu.enqueue_dma source(%dma_start3A_197 : memref<32xi32, #tpu.memory_space<hbm>>) target(%arg9 : memref<32xi32, #tpu.memory_space<vmem>>) target_semaphore(%run_scoped3A : memref<!tpu.dma_semaphore, #tpu.memory_space<semaphore_mem>>)
        %dma_wait3A_198 = tpu.memref_slice %arg4[%add3A_14] : memref<16384xi32, #tpu.memory_space<hbm>> -> memref<32xi32, #tpu.memory_space<hbm>>
        %dma_wait3A_199 = tpu.memref_slice %arg4[%add3A_14] : memref<16384xi32, #tpu.memory_space<hbm>> -> memref<32xi32, #tpu.memory_space<hbm>>
        tpu.wait_dma2 semaphore(%run_scoped3A : memref<!tpu.dma_semaphore, #tpu.memory_space<semaphore_mem>>) src(%dma_wait3A_199 : memref<32xi32, #tpu.memory_space<hbm>>) dst(%arg9 : memref<32xi32, #tpu.memory_space<vmem>>)
        tpu.yield
      }) : () -> ()
      "tpu.region"() ({
        %run_scoped3A = tpu.sem_alloc : memref<!tpu.dma_semaphore, #tpu.memory_space<semaphore_mem>>
        %dma_start3A_196 = tpu.memref_slice %arg5[%mul3A_16] : memref<409600xi32, #tpu.memory_space<hbm>> -> memref<800xi32, #tpu.memory_space<hbm>>
        %dma_start3A_197 = tpu.memref_slice %arg5[%mul3A_16] : memref<409600xi32, #tpu.memory_space<hbm>> -> memref<800xi32, #tpu.memory_space<hbm>>
        tpu.enqueue_dma source(%dma_start3A_197 : memref<800xi32, #tpu.memory_space<hbm>>) target(%arg10 : memref<800xi32, #tpu.memory_space<vmem>>) target_semaphore(%run_scoped3A : memref<!tpu.dma_semaphore, #tpu.memory_space<semaphore_mem>>)
        %dma_wait3A_198 = tpu.memref_slice %arg5[%mul3A_16] : memref<409600xi32, #tpu.memory_space<hbm>> -> memref<800xi32, #tpu.memory_space<hbm>>
        %dma_wait3A_199 = tpu.memref_slice %arg5[%mul3A_16] : memref<409600xi32, #tpu.memory_space<hbm>> -> memref<800xi32, #tpu.memory_space<hbm>>
        tpu.wait_dma2 semaphore(%run_scoped3A : memref<!tpu.dma_semaphore, #tpu.memory_space<semaphore_mem>>) src(%dma_wait3A_199 : memref<800xi32, #tpu.memory_space<hbm>>) dst(%arg10 : memref<800xi32, #tpu.memory_space<vmem>>)
        tpu.yield
      }) : () -> ()
      "tpu.region"() ({
        %run_scoped3A = tpu.sem_alloc : memref<!tpu.dma_semaphore, #tpu.memory_space<semaphore_mem>>
        %dma_start3A_196 = tpu.memref_slice %arg2[%add3A_14] : memref<16384xi32, #tpu.memory_space<hbm>> -> memref<32xi32, #tpu.memory_space<hbm>>
        %dma_start3A_197 = tpu.memref_slice %arg2[%add3A_14] : memref<16384xi32, #tpu.memory_space<hbm>> -> memref<32xi32, #tpu.memory_space<hbm>>
        tpu.enqueue_dma source(%dma_start3A_197 : memref<32xi32, #tpu.memory_space<hbm>>) target(%arg11 : memref<32xi32, #tpu.memory_space<vmem>>) target_semaphore(%run_scoped3A : memref<!tpu.dma_semaphore, #tpu.memory_space<semaphore_mem>>)
        %dma_wait3A_198 = tpu.memref_slice %arg2[%add3A_14] : memref<16384xi32, #tpu.memory_space<hbm>> -> memref<32xi32, #tpu.memory_space<hbm>>
        %dma_wait3A_199 = tpu.memref_slice %arg2[%add3A_14] : memref<16384xi32, #tpu.memory_space<hbm>> -> memref<32xi32, #tpu.memory_space<hbm>>
        tpu.wait_dma2 semaphore(%run_scoped3A : memref<!tpu.dma_semaphore, #tpu.memory_space<semaphore_mem>>) src(%dma_wait3A_199 : memref<32xi32, #tpu.memory_space<hbm>>) dst(%arg11 : memref<32xi32, #tpu.memory_space<vmem>>)
        tpu.yield
      }) : () -> ()
      "tpu.region"() ({
        %run_scoped3A = tpu.sem_alloc : memref<!tpu.dma_semaphore, #tpu.memory_space<semaphore_mem>>
        %dma_start3A_196 = tpu.memref_slice %arg3[%mul3A_16] : memref<409600xi32, #tpu.memory_space<hbm>> -> memref<800xi32, #tpu.memory_space<hbm>>
        %dma_start3A_197 = tpu.memref_slice %arg3[%mul3A_16] : memref<409600xi32, #tpu.memory_space<hbm>> -> memref<800xi32, #tpu.memory_space<hbm>>
        tpu.enqueue_dma source(%dma_start3A_197 : memref<800xi32, #tpu.memory_space<hbm>>) target(%arg12 : memref<800xi32, #tpu.memory_space<vmem>>) target_semaphore(%run_scoped3A : memref<!tpu.dma_semaphore, #tpu.memory_space<semaphore_mem>>)
        %dma_wait3A_198 = tpu.memref_slice %arg3[%mul3A_16] : memref<409600xi32, #tpu.memory_space<hbm>> -> memref<800xi32, #tpu.memory_space<hbm>>
        %dma_wait3A_199 = tpu.memref_slice %arg3[%mul3A_16] : memref<409600xi32, #tpu.memory_space<hbm>> -> memref<800xi32, #tpu.memory_space<hbm>>
        tpu.wait_dma2 semaphore(%run_scoped3A : memref<!tpu.dma_semaphore, #tpu.memory_space<semaphore_mem>>) src(%dma_wait3A_199 : memref<800xi32, #tpu.memory_space<hbm>>) dst(%arg12 : memref<800xi32, #tpu.memory_space<vmem>>)
        tpu.yield
      }) : () -> ()
      %dma_start3A = arith.constant 0 : i32
      %dma_start3A_17 = arith.constant 0 : i32
      %dma_start3A_18 = tpu.memref_slice %arg6[%dma_start3A, %dma_start3A_17] : memref<500000x128xf32, #tpu.memory_space<hbm>> -> memref<500000x128xf32, #tpu.memory_space<hbm>>
      tpu.enqueue_indirect_dma source(%dma_start3A_18 : memref<500000x128xf32, #tpu.memory_space<hbm>>) target(%arg13 : memref<32x128xf32, #tpu.memory_space<vmem>>) offsets(%arg9 : memref<32xi32, #tpu.memory_space<vmem>>) semaphore(%arg16 : memref<!tpu.dma_semaphore, #tpu.memory_space<semaphore_mem>>)
      %dma_start3A_19 = arith.constant 0 : i32
      %dma_start3A_20 = arith.constant 0 : i32
      %dma_start3A_21 = tpu.memref_slice %arg14[%dma_start3A_19, %dma_start3A_20] : memref<800x128xf32, #tpu.memory_space<vmem>> -> memref<80x128xf32, #tpu.memory_space<vmem>>
      %dma_start3A_22 = arith.constant 0 : i32
      %dma_start3A_23 = tpu.memref_slice %arg10[%dma_start3A_22] : memref<800xi32, #tpu.memory_space<vmem>> -> memref<80xi32, #tpu.memory_space<vmem>>
      %dma_start3A_24 = arith.constant 0 : i32
      %dma_start3A_25 = arith.constant 0 : i32
      %dma_start3A_26 = tpu.memref_slice %arg7[%dma_start3A_24, %dma_start3A_25] : memref<500000x128xf32, #tpu.memory_space<hbm>> -> memref<500000x128xf32, #tpu.memory_space<hbm>>
      tpu.enqueue_indirect_dma source(%dma_start3A_26 : memref<500000x128xf32, #tpu.memory_space<hbm>>) target(%dma_start3A_21 : memref<80x128xf32, #tpu.memory_space<vmem>>) offsets(%dma_start3A_23 : memref<80xi32, #tpu.memory_space<vmem>>) semaphore(%arg16 : memref<!tpu.dma_semaphore, #tpu.memory_space<semaphore_mem>>)
      %dma_start3A_27 = arith.constant 80 : i32
      %dma_start3A_28 = arith.constant 0 : i32
      %dma_start3A_29 = tpu.memref_slice %arg14[%dma_start3A_27, %dma_start3A_28] : memref<800x128xf32, #tpu.memory_space<vmem>> -> memref<80x128xf32, #tpu.memory_space<vmem>>
      %dma_start3A_30 = arith.constant 80 : i32
      %dma_start3A_31 = tpu.memref_slice %arg10[%dma_start3A_30] : memref<800xi32, #tpu.memory_space<vmem>> -> memref<80xi32, #tpu.memory_space<vmem>>
      %dma_start3A_32 = arith.constant 0 : i32
      %dma_start3A_33 = arith.constant 0 : i32
      %dma_start3A_34 = tpu.memref_slice %arg7[%dma_start3A_32, %dma_start3A_33] : memref<500000x128xf32, #tpu.memory_space<hbm>> -> memref<500000x128xf32, #tpu.memory_space<hbm>>
      tpu.enqueue_indirect_dma source(%dma_start3A_34 : memref<500000x128xf32, #tpu.memory_space<hbm>>) target(%dma_start3A_29 : memref<80x128xf32, #tpu.memory_space<vmem>>) offsets(%dma_start3A_31 : memref<80xi32, #tpu.memory_space<vmem>>) semaphore(%arg16 : memref<!tpu.dma_semaphore, #tpu.memory_space<semaphore_mem>>)
      %dma_start3A_35 = arith.constant 160 : i32
      %dma_start3A_36 = arith.constant 0 : i32
      %dma_start3A_37 = tpu.memref_slice %arg14[%dma_start3A_35, %dma_start3A_36] : memref<800x128xf32, #tpu.memory_space<vmem>> -> memref<80x128xf32, #tpu.memory_space<vmem>>
      %dma_start3A_38 = arith.constant 160 : i32
      %dma_start3A_39 = tpu.memref_slice %arg10[%dma_start3A_38] : memref<800xi32, #tpu.memory_space<vmem>> -> memref<80xi32, #tpu.memory_space<vmem>>
      %dma_start3A_40 = arith.constant 0 : i32
      %dma_start3A_41 = arith.constant 0 : i32
      %dma_start3A_42 = tpu.memref_slice %arg7[%dma_start3A_40, %dma_start3A_41] : memref<500000x128xf32, #tpu.memory_space<hbm>> -> memref<500000x128xf32, #tpu.memory_space<hbm>>
      tpu.enqueue_indirect_dma source(%dma_start3A_42 : memref<500000x128xf32, #tpu.memory_space<hbm>>) target(%dma_start3A_37 : memref<80x128xf32, #tpu.memory_space<vmem>>) offsets(%dma_start3A_39 : memref<80xi32, #tpu.memory_space<vmem>>) semaphore(%arg16 : memref<!tpu.dma_semaphore, #tpu.memory_space<semaphore_mem>>)
      %dma_start3A_43 = arith.constant 240 : i32
      %dma_start3A_44 = arith.constant 0 : i32
      %dma_start3A_45 = tpu.memref_slice %arg14[%dma_start3A_43, %dma_start3A_44] : memref<800x128xf32, #tpu.memory_space<vmem>> -> memref<80x128xf32, #tpu.memory_space<vmem>>
      %dma_start3A_46 = arith.constant 240 : i32
      %dma_start3A_47 = tpu.memref_slice %arg10[%dma_start3A_46] : memref<800xi32, #tpu.memory_space<vmem>> -> memref<80xi32, #tpu.memory_space<vmem>>
      %dma_start3A_48 = arith.constant 0 : i32
      %dma_start3A_49 = arith.constant 0 : i32
      %dma_start3A_50 = tpu.memref_slice %arg7[%dma_start3A_48, %dma_start3A_49] : memref<500000x128xf32, #tpu.memory_space<hbm>> -> memref<500000x128xf32, #tpu.memory_space<hbm>>
      tpu.enqueue_indirect_dma source(%dma_start3A_50 : memref<500000x128xf32, #tpu.memory_space<hbm>>) target(%dma_start3A_45 : memref<80x128xf32, #tpu.memory_space<vmem>>) offsets(%dma_start3A_47 : memref<80xi32, #tpu.memory_space<vmem>>) semaphore(%arg16 : memref<!tpu.dma_semaphore, #tpu.memory_space<semaphore_mem>>)
      %dma_start3A_51 = arith.constant 320 : i32
      %dma_start3A_52 = arith.constant 0 : i32
      %dma_start3A_53 = tpu.memref_slice %arg14[%dma_start3A_51, %dma_start3A_52] : memref<800x128xf32, #tpu.memory_space<vmem>> -> memref<80x128xf32, #tpu.memory_space<vmem>>
      %dma_start3A_54 = arith.constant 320 : i32
      %dma_start3A_55 = tpu.memref_slice %arg10[%dma_start3A_54] : memref<800xi32, #tpu.memory_space<vmem>> -> memref<80xi32, #tpu.memory_space<vmem>>
      %dma_start3A_56 = arith.constant 0 : i32
      %dma_start3A_57 = arith.constant 0 : i32
      %dma_start3A_58 = tpu.memref_slice %arg7[%dma_start3A_56, %dma_start3A_57] : memref<500000x128xf32, #tpu.memory_space<hbm>> -> memref<500000x128xf32, #tpu.memory_space<hbm>>
      tpu.enqueue_indirect_dma source(%dma_start3A_58 : memref<500000x128xf32, #tpu.memory_space<hbm>>) target(%dma_start3A_53 : memref<80x128xf32, #tpu.memory_space<vmem>>) offsets(%dma_start3A_55 : memref<80xi32, #tpu.memory_space<vmem>>) semaphore(%arg16 : memref<!tpu.dma_semaphore, #tpu.memory_space<semaphore_mem>>)
      %dma_start3A_59 = arith.constant 400 : i32
      %dma_start3A_60 = arith.constant 0 : i32
      %dma_start3A_61 = tpu.memref_slice %arg14[%dma_start3A_59, %dma_start3A_60] : memref<800x128xf32, #tpu.memory_space<vmem>> -> memref<80x128xf32, #tpu.memory_space<vmem>>
      %dma_start3A_62 = arith.constant 400 : i32
      %dma_start3A_63 = tpu.memref_slice %arg10[%dma_start3A_62] : memref<800xi32, #tpu.memory_space<vmem>> -> memref<80xi32, #tpu.memory_space<vmem>>
      %dma_start3A_64 = arith.constant 0 : i32
      %dma_start3A_65 = arith.constant 0 : i32
      %dma_start3A_66 = tpu.memref_slice %arg7[%dma_start3A_64, %dma_start3A_65] : memref<500000x128xf32, #tpu.memory_space<hbm>> -> memref<500000x128xf32, #tpu.memory_space<hbm>>
      tpu.enqueue_indirect_dma source(%dma_start3A_66 : memref<500000x128xf32, #tpu.memory_space<hbm>>) target(%dma_start3A_61 : memref<80x128xf32, #tpu.memory_space<vmem>>) offsets(%dma_start3A_63 : memref<80xi32, #tpu.memory_space<vmem>>) semaphore(%arg16 : memref<!tpu.dma_semaphore, #tpu.memory_space<semaphore_mem>>)
      %dma_start3A_67 = arith.constant 480 : i32
      %dma_start3A_68 = arith.constant 0 : i32
      %dma_start3A_69 = tpu.memref_slice %arg14[%dma_start3A_67, %dma_start3A_68] : memref<800x128xf32, #tpu.memory_space<vmem>> -> memref<80x128xf32, #tpu.memory_space<vmem>>
      %dma_start3A_70 = arith.constant 480 : i32
      %dma_start3A_71 = tpu.memref_slice %arg10[%dma_start3A_70] : memref<800xi32, #tpu.memory_space<vmem>> -> memref<80xi32, #tpu.memory_space<vmem>>
      %dma_start3A_72 = arith.constant 0 : i32
      %dma_start3A_73 = arith.constant 0 : i32
      %dma_start3A_74 = tpu.memref_slice %arg7[%dma_start3A_72, %dma_start3A_73] : memref<500000x128xf32, #tpu.memory_space<hbm>> -> memref<500000x128xf32, #tpu.memory_space<hbm>>
      tpu.enqueue_indirect_dma source(%dma_start3A_74 : memref<500000x128xf32, #tpu.memory_space<hbm>>) target(%dma_start3A_69 : memref<80x128xf32, #tpu.memory_space<vmem>>) offsets(%dma_start3A_71 : memref<80xi32, #tpu.memory_space<vmem>>) semaphore(%arg16 : memref<!tpu.dma_semaphore, #tpu.memory_space<semaphore_mem>>)
      %dma_start3A_75 = arith.constant 560 : i32
      %dma_start3A_76 = arith.constant 0 : i32
      %dma_start3A_77 = tpu.memref_slice %arg14[%dma_start3A_75, %dma_start3A_76] : memref<800x128xf32, #tpu.memory_space<vmem>> -> memref<80x128xf32, #tpu.memory_space<vmem>>
      %dma_start3A_78 = arith.constant 560 : i32
      %dma_start3A_79 = tpu.memref_slice %arg10[%dma_start3A_78] : memref<800xi32, #tpu.memory_space<vmem>> -> memref<80xi32, #tpu.memory_space<vmem>>
      %dma_start3A_80 = arith.constant 0 : i32
      %dma_start3A_81 = arith.constant 0 : i32
      %dma_start3A_82 = tpu.memref_slice %arg7[%dma_start3A_80, %dma_start3A_81] : memref<500000x128xf32, #tpu.memory_space<hbm>> -> memref<500000x128xf32, #tpu.memory_space<hbm>>
      tpu.enqueue_indirect_dma source(%dma_start3A_82 : memref<500000x128xf32, #tpu.memory_space<hbm>>) target(%dma_start3A_77 : memref<80x128xf32, #tpu.memory_space<vmem>>) offsets(%dma_start3A_79 : memref<80xi32, #tpu.memory_space<vmem>>) semaphore(%arg16 : memref<!tpu.dma_semaphore, #tpu.memory_space<semaphore_mem>>)
      %dma_start3A_83 = arith.constant 640 : i32
      %dma_start3A_84 = arith.constant 0 : i32
      %dma_start3A_85 = tpu.memref_slice %arg14[%dma_start3A_83, %dma_start3A_84] : memref<800x128xf32, #tpu.memory_space<vmem>> -> memref<80x128xf32, #tpu.memory_space<vmem>>
      %dma_start3A_86 = arith.constant 640 : i32
      %dma_start3A_87 = tpu.memref_slice %arg10[%dma_start3A_86] : memref<800xi32, #tpu.memory_space<vmem>> -> memref<80xi32, #tpu.memory_space<vmem>>
      %dma_start3A_88 = arith.constant 0 : i32
      %dma_start3A_89 = arith.constant 0 : i32
      %dma_start3A_90 = tpu.memref_slice %arg7[%dma_start3A_88, %dma_start3A_89] : memref<500000x128xf32, #tpu.memory_space<hbm>> -> memref<500000x128xf32, #tpu.memory_space<hbm>>
      tpu.enqueue_indirect_dma source(%dma_start3A_90 : memref<500000x128xf32, #tpu.memory_space<hbm>>) target(%dma_start3A_85 : memref<80x128xf32, #tpu.memory_space<vmem>>) offsets(%dma_start3A_87 : memref<80xi32, #tpu.memory_space<vmem>>) semaphore(%arg16 : memref<!tpu.dma_semaphore, #tpu.memory_space<semaphore_mem>>)
      %dma_start3A_91 = arith.constant 720 : i32
      %dma_start3A_92 = arith.constant 0 : i32
      %dma_start3A_93 = tpu.memref_slice %arg14[%dma_start3A_91, %dma_start3A_92] : memref<800x128xf32, #tpu.memory_space<vmem>> -> memref<80x128xf32, #tpu.memory_space<vmem>>
      %dma_start3A_94 = arith.constant 720 : i32
      %dma_start3A_95 = tpu.memref_slice %arg10[%dma_start3A_94] : memref<800xi32, #tpu.memory_space<vmem>> -> memref<80xi32, #tpu.memory_space<vmem>>
      %dma_start3A_96 = arith.constant 0 : i32
      %dma_start3A_97 = arith.constant 0 : i32
      %dma_start3A_98 = tpu.memref_slice %arg7[%dma_start3A_96, %dma_start3A_97] : memref<500000x128xf32, #tpu.memory_space<hbm>> -> memref<500000x128xf32, #tpu.memory_space<hbm>>
      tpu.enqueue_indirect_dma source(%dma_start3A_98 : memref<500000x128xf32, #tpu.memory_space<hbm>>) target(%dma_start3A_93 : memref<80x128xf32, #tpu.memory_space<vmem>>) offsets(%dma_start3A_95 : memref<80xi32, #tpu.memory_space<vmem>>) semaphore(%arg16 : memref<!tpu.dma_semaphore, #tpu.memory_space<semaphore_mem>>)
      %dma_wait3A = arith.constant 0 : i32
      %dma_wait3A_99 = arith.constant 0 : i32
      %dma_wait3A_100 = tpu.memref_slice %arg6[%dma_wait3A, %dma_wait3A_99] : memref<500000x128xf32, #tpu.memory_space<hbm>> -> memref<500000x128xf32, #tpu.memory_space<hbm>>
      tpu.wait_indirect_dma semaphore(%arg16 : memref<!tpu.dma_semaphore, #tpu.memory_space<semaphore_mem>>) src(%dma_wait3A_100 : memref<500000x128xf32, #tpu.memory_space<hbm>>) dst(%arg13 : memref<32x128xf32, #tpu.memory_space<vmem>>)
      %dma_wait3A_101 = arith.constant 0 : i32
      %dma_wait3A_102 = arith.constant 0 : i32
      %dma_wait3A_103 = tpu.memref_slice %arg14[%dma_wait3A_101, %dma_wait3A_102] : memref<800x128xf32, #tpu.memory_space<vmem>> -> memref<80x128xf32, #tpu.memory_space<vmem>>
      %dma_wait3A_104 = arith.constant 0 : i32
      %dma_wait3A_105 = tpu.memref_slice %arg10[%dma_wait3A_104] : memref<800xi32, #tpu.memory_space<vmem>> -> memref<80xi32, #tpu.memory_space<vmem>>
      %dma_wait3A_106 = arith.constant 0 : i32
      %dma_wait3A_107 = arith.constant 0 : i32
      %dma_wait3A_108 = tpu.memref_slice %arg7[%dma_wait3A_106, %dma_wait3A_107] : memref<500000x128xf32, #tpu.memory_space<hbm>> -> memref<500000x128xf32, #tpu.memory_space<hbm>>
      tpu.wait_indirect_dma semaphore(%arg16 : memref<!tpu.dma_semaphore, #tpu.memory_space<semaphore_mem>>) src(%dma_wait3A_108 : memref<500000x128xf32, #tpu.memory_space<hbm>>) dst(%dma_wait3A_103 : memref<80x128xf32, #tpu.memory_space<vmem>>)
      %dma_wait3A_109 = arith.constant 80 : i32
      %dma_wait3A_110 = arith.constant 0 : i32
      %dma_wait3A_111 = tpu.memref_slice %arg14[%dma_wait3A_109, %dma_wait3A_110] : memref<800x128xf32, #tpu.memory_space<vmem>> -> memref<80x128xf32, #tpu.memory_space<vmem>>
      %dma_wait3A_112 = arith.constant 80 : i32
      %dma_wait3A_113 = tpu.memref_slice %arg10[%dma_wait3A_112] : memref<800xi32, #tpu.memory_space<vmem>> -> memref<80xi32, #tpu.memory_space<vmem>>
      %dma_wait3A_114 = arith.constant 0 : i32
      %dma_wait3A_115 = arith.constant 0 : i32
      %dma_wait3A_116 = tpu.memref_slice %arg7[%dma_wait3A_114, %dma_wait3A_115] : memref<500000x128xf32, #tpu.memory_space<hbm>> -> memref<500000x128xf32, #tpu.memory_space<hbm>>
      tpu.wait_indirect_dma semaphore(%arg16 : memref<!tpu.dma_semaphore, #tpu.memory_space<semaphore_mem>>) src(%dma_wait3A_116 : memref<500000x128xf32, #tpu.memory_space<hbm>>) dst(%dma_wait3A_111 : memref<80x128xf32, #tpu.memory_space<vmem>>)
      %dma_wait3A_117 = arith.constant 160 : i32
      %dma_wait3A_118 = arith.constant 0 : i32
      %dma_wait3A_119 = tpu.memref_slice %arg14[%dma_wait3A_117, %dma_wait3A_118] : memref<800x128xf32, #tpu.memory_space<vmem>> -> memref<80x128xf32, #tpu.memory_space<vmem>>
      %dma_wait3A_120 = arith.constant 160 : i32
      %dma_wait3A_121 = tpu.memref_slice %arg10[%dma_wait3A_120] : memref<800xi32, #tpu.memory_space<vmem>> -> memref<80xi32, #tpu.memory_space<vmem>>
      %dma_wait3A_122 = arith.constant 0 : i32
      %dma_wait3A_123 = arith.constant 0 : i32
      %dma_wait3A_124 = tpu.memref_slice %arg7[%dma_wait3A_122, %dma_wait3A_123] : memref<500000x128xf32, #tpu.memory_space<hbm>> -> memref<500000x128xf32, #tpu.memory_space<hbm>>
      tpu.wait_indirect_dma semaphore(%arg16 : memref<!tpu.dma_semaphore, #tpu.memory_space<semaphore_mem>>) src(%dma_wait3A_124 : memref<500000x128xf32, #tpu.memory_space<hbm>>) dst(%dma_wait3A_119 : memref<80x128xf32, #tpu.memory_space<vmem>>)
      %dma_wait3A_125 = arith.constant 240 : i32
      %dma_wait3A_126 = arith.constant 0 : i32
      %dma_wait3A_127 = tpu.memref_slice %arg14[%dma_wait3A_125, %dma_wait3A_126] : memref<800x128xf32, #tpu.memory_space<vmem>> -> memref<80x128xf32, #tpu.memory_space<vmem>>
      %dma_wait3A_128 = arith.constant 240 : i32
      %dma_wait3A_129 = tpu.memref_slice %arg10[%dma_wait3A_128] : memref<800xi32, #tpu.memory_space<vmem>> -> memref<80xi32, #tpu.memory_space<vmem>>
      %dma_wait3A_130 = arith.constant 0 : i32
      %dma_wait3A_131 = arith.constant 0 : i32
      %dma_wait3A_132 = tpu.memref_slice %arg7[%dma_wait3A_130, %dma_wait3A_131] : memref<500000x128xf32, #tpu.memory_space<hbm>> -> memref<500000x128xf32, #tpu.memory_space<hbm>>
      tpu.wait_indirect_dma semaphore(%arg16 : memref<!tpu.dma_semaphore, #tpu.memory_space<semaphore_mem>>) src(%dma_wait3A_132 : memref<500000x128xf32, #tpu.memory_space<hbm>>) dst(%dma_wait3A_127 : memref<80x128xf32, #tpu.memory_space<vmem>>)
      %dma_wait3A_133 = arith.constant 320 : i32
      %dma_wait3A_134 = arith.constant 0 : i32
      %dma_wait3A_135 = tpu.memref_slice %arg14[%dma_wait3A_133, %dma_wait3A_134] : memref<800x128xf32, #tpu.memory_space<vmem>> -> memref<80x128xf32, #tpu.memory_space<vmem>>
      %dma_wait3A_136 = arith.constant 320 : i32
      %dma_wait3A_137 = tpu.memref_slice %arg10[%dma_wait3A_136] : memref<800xi32, #tpu.memory_space<vmem>> -> memref<80xi32, #tpu.memory_space<vmem>>
      %dma_wait3A_138 = arith.constant 0 : i32
      %dma_wait3A_139 = arith.constant 0 : i32
      %dma_wait3A_140 = tpu.memref_slice %arg7[%dma_wait3A_138, %dma_wait3A_139] : memref<500000x128xf32, #tpu.memory_space<hbm>> -> memref<500000x128xf32, #tpu.memory_space<hbm>>
      tpu.wait_indirect_dma semaphore(%arg16 : memref<!tpu.dma_semaphore, #tpu.memory_space<semaphore_mem>>) src(%dma_wait3A_140 : memref<500000x128xf32, #tpu.memory_space<hbm>>) dst(%dma_wait3A_135 : memref<80x128xf32, #tpu.memory_space<vmem>>)
      %dma_wait3A_141 = arith.constant 400 : i32
      %dma_wait3A_142 = arith.constant 0 : i32
      %dma_wait3A_143 = tpu.memref_slice %arg14[%dma_wait3A_141, %dma_wait3A_142] : memref<800x128xf32, #tpu.memory_space<vmem>> -> memref<80x128xf32, #tpu.memory_space<vmem>>
      %dma_wait3A_144 = arith.constant 400 : i32
      %dma_wait3A_145 = tpu.memref_slice %arg10[%dma_wait3A_144] : memref<800xi32, #tpu.memory_space<vmem>> -> memref<80xi32, #tpu.memory_space<vmem>>
      %dma_wait3A_146 = arith.constant 0 : i32
      %dma_wait3A_147 = arith.constant 0 : i32
      %dma_wait3A_148 = tpu.memref_slice %arg7[%dma_wait3A_146, %dma_wait3A_147] : memref<500000x128xf32, #tpu.memory_space<hbm>> -> memref<500000x128xf32, #tpu.memory_space<hbm>>
      tpu.wait_indirect_dma semaphore(%arg16 : memref<!tpu.dma_semaphore, #tpu.memory_space<semaphore_mem>>) src(%dma_wait3A_148 : memref<500000x128xf32, #tpu.memory_space<hbm>>) dst(%dma_wait3A_143 : memref<80x128xf32, #tpu.memory_space<vmem>>)
      %dma_wait3A_149 = arith.constant 480 : i32
      %dma_wait3A_150 = arith.constant 0 : i32
      %dma_wait3A_151 = tpu.memref_slice %arg14[%dma_wait3A_149, %dma_wait3A_150] : memref<800x128xf32, #tpu.memory_space<vmem>> -> memref<80x128xf32, #tpu.memory_space<vmem>>
      %dma_wait3A_152 = arith.constant 480 : i32
      %dma_wait3A_153 = tpu.memref_slice %arg10[%dma_wait3A_152] : memref<800xi32, #tpu.memory_space<vmem>> -> memref<80xi32, #tpu.memory_space<vmem>>
      %dma_wait3A_154 = arith.constant 0 : i32
      %dma_wait3A_155 = arith.constant 0 : i32
      %dma_wait3A_156 = tpu.memref_slice %arg7[%dma_wait3A_154, %dma_wait3A_155] : memref<500000x128xf32, #tpu.memory_space<hbm>> -> memref<500000x128xf32, #tpu.memory_space<hbm>>
      tpu.wait_indirect_dma semaphore(%arg16 : memref<!tpu.dma_semaphore, #tpu.memory_space<semaphore_mem>>) src(%dma_wait3A_156 : memref<500000x128xf32, #tpu.memory_space<hbm>>) dst(%dma_wait3A_151 : memref<80x128xf32, #tpu.memory_space<vmem>>)
      %dma_wait3A_157 = arith.constant 560 : i32
      %dma_wait3A_158 = arith.constant 0 : i32
      %dma_wait3A_159 = tpu.memref_slice %arg14[%dma_wait3A_157, %dma_wait3A_158] : memref<800x128xf32, #tpu.memory_space<vmem>> -> memref<80x128xf32, #tpu.memory_space<vmem>>
      %dma_wait3A_160 = arith.constant 560 : i32
      %dma_wait3A_161 = tpu.memref_slice %arg10[%dma_wait3A_160] : memref<800xi32, #tpu.memory_space<vmem>> -> memref<80xi32, #tpu.memory_space<vmem>>
      %dma_wait3A_162 = arith.constant 0 : i32
      %dma_wait3A_163 = arith.constant 0 : i32
      %dma_wait3A_164 = tpu.memref_slice %arg7[%dma_wait3A_162, %dma_wait3A_163] : memref<500000x128xf32, #tpu.memory_space<hbm>> -> memref<500000x128xf32, #tpu.memory_space<hbm>>
      tpu.wait_indirect_dma semaphore(%arg16 : memref<!tpu.dma_semaphore, #tpu.memory_space<semaphore_mem>>) src(%dma_wait3A_164 : memref<500000x128xf32, #tpu.memory_space<hbm>>) dst(%dma_wait3A_159 : memref<80x128xf32, #tpu.memory_space<vmem>>)
      %dma_wait3A_165 = arith.constant 640 : i32
      %dma_wait3A_166 = arith.constant 0 : i32
      %dma_wait3A_167 = tpu.memref_slice %arg14[%dma_wait3A_165, %dma_wait3A_166] : memref<800x128xf32, #tpu.memory_space<vmem>> -> memref<80x128xf32, #tpu.memory_space<vmem>>
      %dma_wait3A_168 = arith.constant 640 : i32
      %dma_wait3A_169 = tpu.memref_slice %arg10[%dma_wait3A_168] : memref<800xi32, #tpu.memory_space<vmem>> -> memref<80xi32, #tpu.memory_space<vmem>>
      %dma_wait3A_170 = arith.constant 0 : i32
      %dma_wait3A_171 = arith.constant 0 : i32
      %dma_wait3A_172 = tpu.memref_slice %arg7[%dma_wait3A_170, %dma_wait3A_171] : memref<500000x128xf32, #tpu.memory_space<hbm>> -> memref<500000x128xf32, #tpu.memory_space<hbm>>
      tpu.wait_indirect_dma semaphore(%arg16 : memref<!tpu.dma_semaphore, #tpu.memory_space<semaphore_mem>>) src(%dma_wait3A_172 : memref<500000x128xf32, #tpu.memory_space<hbm>>) dst(%dma_wait3A_167 : memref<80x128xf32, #tpu.memory_space<vmem>>)
      %dma_wait3A_173 = arith.constant 720 : i32
      %dma_wait3A_174 = arith.constant 0 : i32
      %dma_wait3A_175 = tpu.memref_slice %arg14[%dma_wait3A_173, %dma_wait3A_174] : memref<800x128xf32, #tpu.memory_space<vmem>> -> memref<80x128xf32, #tpu.memory_space<vmem>>
      %dma_wait3A_176 = arith.constant 720 : i32
      %dma_wait3A_177 = tpu.memref_slice %arg10[%dma_wait3A_176] : memref<800xi32, #tpu.memory_space<vmem>> -> memref<80xi32, #tpu.memory_space<vmem>>
      %dma_wait3A_178 = arith.constant 0 : i32
      %dma_wait3A_179 = arith.constant 0 : i32
      %dma_wait3A_180 = tpu.memref_slice %arg7[%dma_wait3A_178, %dma_wait3A_179] : memref<500000x128xf32, #tpu.memory_space<hbm>> -> memref<500000x128xf32, #tpu.memory_space<hbm>>
      tpu.wait_indirect_dma semaphore(%arg16 : memref<!tpu.dma_semaphore, #tpu.memory_space<semaphore_mem>>) src(%dma_wait3A_180 : memref<500000x128xf32, #tpu.memory_space<hbm>>) dst(%dma_wait3A_175 : memref<80x128xf32, #tpu.memory_space<vmem>>)
      %scan3A_181 = arith.constant 0 : i32
      %scan3A_182 = arith.constant 0 : i32
      %scan3A_183 = arith.constant 50 : i32
      %scan3A_184 = arith.addi %scan3A_182, %scan3A_183 : i32
      %scan3A_185 = arith.constant 1 : i32
      %scan3A_186 = scf.for %scan3A_196 = %scan3A_182 to %scan3A_184 step %scan3A_185 iter_args(%scan3A_197 = %scan3A_181) -> (i32)  : i32 {
        %mul3A_198 = arith.constant 16 : i32
        %mul3A_199 = arith.muli %scan3A_196, %mul3A_198 : i32
        %swap3A = arith.index_cast %mul3A_199 : i32 to index
        %swap3A_200 = tpu.vector_load %arg15[%swap3A] {strides = array<i32>} : memref<800xf32, #tpu.memory_space<vmem>>, vector<16xf32>,
        tpu.vector_store %arg15[%swap3A], %broadcast_in_dim3A_3 {strides = array<i32>} : memref<800xf32, #tpu.memory_space<vmem>>, vector<16xf32>,
        %scan3A_201 = arith.constant 0 : i32
        scf.yield %scan3A_201 : i32
      }
      %scan3A_187 = arith.constant 50 : i32
      %iota3A = tpu.iota {dimensions = array<i32: 0>} : vector<16xi32>
      %scan3A_188 = arith.constant 0 : i32
      %scan3A_189 = arith.constant 0 : i32
      %scan3A_190 = arith.constant 32 : i32
      %scan3A_191 = arith.addi %scan3A_189, %scan3A_190 : i32
      %scan3A_192 = arith.constant 1 : i32
      %scan3A_193 = scf.for %scan3A_196 = %scan3A_189 to %scan3A_191 step %scan3A_192 iter_args(%scan3A_197 = %scan3A_188) -> (i32)  : i32 {
        %broadcast_in_dim3A_198 = vector.broadcast %scan3A_196 : i32 to vector<16xi32>
        %gather3A = tpu.vector_load_idx %arg11[%broadcast_in_dim3A_198] : memref<32xi32, #tpu.memory_space<vmem>>[vector<16xi32>], vector<16xi32>,
        %mul3A_199 = arith.constant 64 : i32
        %mul3A_200 = vector.broadcast %mul3A_199 : i32 to vector<16xi32>
        %mul3A_201 = arith.muli %gather3A, %mul3A_200 : vector<16xi32>
        %add3A_202 = arith.addi %mul3A_201, %iota3A : vector<16xi32>
        %add3A_203 = arith.constant 0 : i32
        %add3A_204 = vector.broadcast %add3A_203 : i32 to vector<16xi32>
        %add3A_205 = arith.addi %add3A_202, %add3A_204 : vector<16xi32>
        %gather3A_206 = tpu.vector_load_idx %arg13[%broadcast_in_dim3A_198, %add3A_205] : memref<32x128xf32, #tpu.memory_space<vmem>>[vector<16xi32>, vector<16xi32>], vector<16xf32>,
        %add3A_207 = arith.constant 16 : i32
        %add3A_208 = vector.broadcast %add3A_207 : i32 to vector<16xi32>
        %add3A_209 = arith.addi %add3A_202, %add3A_208 : vector<16xi32>
        %gather3A_210 = tpu.vector_load_idx %arg13[%broadcast_in_dim3A_198, %add3A_209] : memref<32x128xf32, #tpu.memory_space<vmem>>[vector<16xi32>, vector<16xi32>], vector<16xf32>,
        %add3A_211 = arith.constant 32 : i32
        %add3A_212 = vector.broadcast %add3A_211 : i32 to vector<16xi32>
        %add3A_213 = arith.addi %add3A_202, %add3A_212 : vector<16xi32>
        %gather3A_214 = tpu.vector_load_idx %arg13[%broadcast_in_dim3A_198, %add3A_213] : memref<32x128xf32, #tpu.memory_space<vmem>>[vector<16xi32>, vector<16xi32>], vector<16xf32>,
        %add3A_215 = arith.constant 48 : i32
        %add3A_216 = vector.broadcast %add3A_215 : i32 to vector<16xi32>
        %add3A_217 = arith.addi %add3A_202, %add3A_216 : vector<16xi32>
        %gather3A_218 = tpu.vector_load_idx %arg13[%broadcast_in_dim3A_198, %add3A_217] : memref<32x128xf32, #tpu.memory_space<vmem>>[vector<16xi32>, vector<16xi32>], vector<16xf32>,
        %mul3A_219 = arith.constant 25 : i32
        %mul3A_220 = arith.muli %scan3A_196, %mul3A_219 : i32
        %add3A_221 = arith.constant 0 : i32
        %add3A_222 = arith.addi %mul3A_220, %add3A_221 : i32
        %broadcast_in_dim3A_223 = vector.broadcast %add3A_222 : i32 to vector<16xi32>
        %gather3A_224 = tpu.vector_load_idx %arg12[%broadcast_in_dim3A_223] : memref<800xi32, #tpu.memory_space<vmem>>[vector<16xi32>], vector<16xi32>,
        %mul3A_225 = arith.constant 64 : i32
        %mul3A_226 = vector.broadcast %mul3A_225 : i32 to vector<16xi32>
        %mul3A_227 = arith.muli %gather3A_224, %mul3A_226 : vector<16xi32>
        %add3A_228 = arith.addi %mul3A_227, %iota3A : vector<16xi32>
        %gather3A_229 = tpu.vector_load_idx %arg14[%broadcast_in_dim3A_223, %add3A_228] : memref<800x128xf32, #tpu.memory_space<vmem>>[vector<16xi32>, vector<16xi32>], vector<16xf32>,
        %mul3A_230 = arith.mulf %gather3A_229, %gather3A_206 : vector<16xf32>
        %add3A_231 = arith.constant 16 : i32
        %add3A_232 = vector.broadcast %add3A_231 : i32 to vector<16xi32>
        %add3A_233 = arith.addi %add3A_228, %add3A_232 : vector<16xi32>
        %gather3A_234 = tpu.vector_load_idx %arg14[%broadcast_in_dim3A_223, %add3A_233] : memref<800x128xf32, #tpu.memory_space<vmem>>[vector<16xi32>, vector<16xi32>], vector<16xf32>,
        %mul3A_235 = arith.mulf %gather3A_234, %gather3A_210 : vector<16xf32>
        %add3A_236 = arith.addf %mul3A_230, %mul3A_235 : vector<16xf32>
        %add3A_237 = arith.constant 32 : i32
        %add3A_238 = vector.broadcast %add3A_237 : i32 to vector<16xi32>
        %add3A_239 = arith.addi %add3A_228, %add3A_238 : vector<16xi32>
        %gather3A_240 = tpu.vector_load_idx %arg14[%broadcast_in_dim3A_223, %add3A_239] : memref<800x128xf32, #tpu.memory_space<vmem>>[vector<16xi32>, vector<16xi32>], vector<16xf32>,
        %mul3A_241 = arith.mulf %gather3A_240, %gather3A_214 : vector<16xf32>
        %add3A_242 = arith.addf %add3A_236, %mul3A_241 : vector<16xf32>
        %add3A_243 = arith.constant 48 : i32
        %add3A_244 = vector.broadcast %add3A_243 : i32 to vector<16xi32>
        %add3A_245 = arith.addi %add3A_228, %add3A_244 : vector<16xi32>
        %gather3A_246 = tpu.vector_load_idx %arg14[%broadcast_in_dim3A_223, %add3A_245] : memref<800x128xf32, #tpu.memory_space<vmem>>[vector<16xi32>, vector<16xi32>], vector<16xf32>,
        %mul3A_247 = arith.mulf %gather3A_246, %gather3A_218 : vector<16xf32>
        %add3A_248 = arith.addf %add3A_242, %mul3A_247 : vector<16xf32>
        tpu.vector_store_idx %arg15[%broadcast_in_dim3A_223], %add3A_248 {add = true} : memref<800xf32, #tpu.memory_space<vmem>>[vector<16xi32>], vector<16xf32>,
        %add3A_249 = arith.constant 1 : i32
        %add3A_250 = arith.addi %mul3A_220, %add3A_249 : i32
        %broadcast_in_dim3A_251 = vector.broadcast %add3A_250 : i32 to vector<16xi32>
        %gather3A_252 = tpu.vector_load_idx %arg12[%broadcast_in_dim3A_251] : memref<800xi32, #tpu.memory_space<vmem>>[vector<16xi32>], vector<16xi32>,
        %mul3A_253 = arith.constant 64 : i32
        %mul3A_254 = vector.broadcast %mul3A_253 : i32 to vector<16xi32>
        %mul3A_255 = arith.muli %gather3A_252, %mul3A_254 : vector<16xi32>
        %add3A_256 = arith.addi %mul3A_255, %iota3A : vector<16xi32>
        %gather3A_257 = tpu.vector_load_idx %arg14[%broadcast_in_dim3A_251, %add3A_256] : memref<800x128xf32, #tpu.memory_space<vmem>>[vector<16xi32>, vector<16xi32>], vector<16xf32>,
        %mul3A_258 = arith.mulf %gather3A_257, %gather3A_206 : vector<16xf32>
        %add3A_259 = arith.constant 16 : i32
        %add3A_260 = vector.broadcast %add3A_259 : i32 to vector<16xi32>
        %add3A_261 = arith.addi %add3A_256, %add3A_260 : vector<16xi32>
        %gather3A_262 = tpu.vector_load_idx %arg14[%broadcast_in_dim3A_251, %add3A_261] : memref<800x128xf32, #tpu.memory_space<vmem>>[vector<16xi32>, vector<16xi32>], vector<16xf32>,
        %mul3A_263 = arith.mulf %gather3A_262, %gather3A_210 : vector<16xf32>
        %add3A_264 = arith.addf %mul3A_258, %mul3A_263 : vector<16xf32>
        %add3A_265 = arith.constant 32 : i32
        %add3A_266 = vector.broadcast %add3A_265 : i32 to vector<16xi32>
        %add3A_267 = arith.addi %add3A_256, %add3A_266 : vector<16xi32>
        %gather3A_268 = tpu.vector_load_idx %arg14[%broadcast_in_dim3A_251, %add3A_267] : memref<800x128xf32, #tpu.memory_space<vmem>>[vector<16xi32>, vector<16xi32>], vector<16xf32>,
        %mul3A_269 = arith.mulf %gather3A_268, %gather3A_214 : vector<16xf32>
        %add3A_270 = arith.addf %add3A_264, %mul3A_269 : vector<16xf32>
        %add3A_271 = arith.constant 48 : i32
        %add3A_272 = vector.broadcast %add3A_271 : i32 to vector<16xi32>
        %add3A_273 = arith.addi %add3A_256, %add3A_272 : vector<16xi32>
        %gather3A_274 = tpu.vector_load_idx %arg14[%broadcast_in_dim3A_251, %add3A_273] : memref<800x128xf32, #tpu.memory_space<vmem>>[vector<16xi32>, vector<16xi32>], vector<16xf32>,
        %mul3A_275 = arith.mulf %gather3A_274, %gather3A_218 : vector<16xf32>
        %add3A_276 = arith.addf %add3A_270, %mul3A_275 : vector<16xf32>
        tpu.vector_store_idx %arg15[%broadcast_in_dim3A_251], %add3A_276 {add = true} : memref<800xf32, #tpu.memory_space<vmem>>[vector<16xi32>], vector<16xf32>,
        %add3A_277 = arith.constant 2 : i32
        %add3A_278 = arith.addi %mul3A_220, %add3A_277 : i32
        %broadcast_in_dim3A_279 = vector.broadcast %add3A_278 : i32 to vector<16xi32>
        %gather3A_280 = tpu.vector_load_idx %arg12[%broadcast_in_dim3A_279] : memref<800xi32, #tpu.memory_space<vmem>>[vector<16xi32>], vector<16xi32>,
        %mul3A_281 = arith.constant 64 : i32
        %mul3A_282 = vector.broadcast %mul3A_281 : i32 to vector<16xi32>
        %mul3A_283 = arith.muli %gather3A_280, %mul3A_282 : vector<16xi32>
        %add3A_284 = arith.addi %mul3A_283, %iota3A : vector<16xi32>
        %gather3A_285 = tpu.vector_load_idx %arg14[%broadcast_in_dim3A_279, %add3A_284] : memref<800x128xf32, #tpu.memory_space<vmem>>[vector<16xi32>, vector<16xi32>], vector<16xf32>,
        %mul3A_286 = arith.mulf %gather3A_285, %gather3A_206 : vector<16xf32>
        %add3A_287 = arith.constant 16 : i32
        %add3A_288 = vector.broadcast %add3A_287 : i32 to vector<16xi32>
        %add3A_289 = arith.addi %add3A_284, %add3A_288 : vector<16xi32>
        %gather3A_290 = tpu.vector_load_idx %arg14[%broadcast_in_dim3A_279, %add3A_289] : memref<800x128xf32, #tpu.memory_space<vmem>>[vector<16xi32>, vector<16xi32>], vector<16xf32>,
        %mul3A_291 = arith.mulf %gather3A_290, %gather3A_210 : vector<16xf32>
        %add3A_292 = arith.addf %mul3A_286, %mul3A_291 : vector<16xf32>
        %add3A_293 = arith.constant 32 : i32
        %add3A_294 = vector.broadcast %add3A_293 : i32 to vector<16xi32>
        %add3A_295 = arith.addi %add3A_284, %add3A_294 : vector<16xi32>
        %gather3A_296 = tpu.vector_load_idx %arg14[%broadcast_in_dim3A_279, %add3A_295] : memref<800x128xf32, #tpu.memory_space<vmem>>[vector<16xi32>, vector<16xi32>], vector<16xf32>,
        %mul3A_297 = arith.mulf %gather3A_296, %gather3A_214 : vector<16xf32>
        %add3A_298 = arith.addf %add3A_292, %mul3A_297 : vector<16xf32>
        %add3A_299 = arith.constant 48 : i32
        %add3A_300 = vector.broadcast %add3A_299 : i32 to vector<16xi32>
        %add3A_301 = arith.addi %add3A_284, %add3A_300 : vector<16xi32>
        %gather3A_302 = tpu.vector_load_idx %arg14[%broadcast_in_dim3A_279, %add3A_301] : memref<800x128xf32, #tpu.memory_space<vmem>>[vector<16xi32>, vector<16xi32>], vector<16xf32>,
        %mul3A_303 = arith.mulf %gather3A_302, %gather3A_218 : vector<16xf32>
        %add3A_304 = arith.addf %add3A_298, %mul3A_303 : vector<16xf32>
        tpu.vector_store_idx %arg15[%broadcast_in_dim3A_279], %add3A_304 {add = true} : memref<800xf32, #tpu.memory_space<vmem>>[vector<16xi32>], vector<16xf32>,
        %add3A_305 = arith.constant 3 : i32
        %add3A_306 = arith.addi %mul3A_220, %add3A_305 : i32
        %broadcast_in_dim3A_307 = vector.broadcast %add3A_306 : i32 to vector<16xi32>
        %gather3A_308 = tpu.vector_load_idx %arg12[%broadcast_in_dim3A_307] : memref<800xi32, #tpu.memory_space<vmem>>[vector<16xi32>], vector<16xi32>,
        %mul3A_309 = arith.constant 64 : i32
        %mul3A_310 = vector.broadcast %mul3A_309 : i32 to vector<16xi32>
        %mul3A_311 = arith.muli %gather3A_308, %mul3A_310 : vector<16xi32>
        %add3A_312 = arith.addi %mul3A_311, %iota3A : vector<16xi32>
        %gather3A_313 = tpu.vector_load_idx %arg14[%broadcast_in_dim3A_307, %add3A_312] : memref<800x128xf32, #tpu.memory_space<vmem>>[vector<16xi32>, vector<16xi32>], vector<16xf32>,
        %mul3A_314 = arith.mulf %gather3A_313, %gather3A_206 : vector<16xf32>
        %add3A_315 = arith.constant 16 : i32
        %add3A_316 = vector.broadcast %add3A_315 : i32 to vector<16xi32>
        %add3A_317 = arith.addi %add3A_312, %add3A_316 : vector<16xi32>
        %gather3A_318 = tpu.vector_load_idx %arg14[%broadcast_in_dim3A_307, %add3A_317] : memref<800x128xf32, #tpu.memory_space<vmem>>[vector<16xi32>, vector<16xi32>], vector<16xf32>,
        %mul3A_319 = arith.mulf %gather3A_318, %gather3A_210 : vector<16xf32>
        %add3A_320 = arith.addf %mul3A_314, %mul3A_319 : vector<16xf32>
        %add3A_321 = arith.constant 32 : i32
        %add3A_322 = vector.broadcast %add3A_321 : i32 to vector<16xi32>
        %add3A_323 = arith.addi %add3A_312, %add3A_322 : vector<16xi32>
        %gather3A_324 = tpu.vector_load_idx %arg14[%broadcast_in_dim3A_307, %add3A_323] : memref<800x128xf32, #tpu.memory_space<vmem>>[vector<16xi32>, vector<16xi32>], vector<16xf32>,
        %mul3A_325 = arith.mulf %gather3A_324, %gather3A_214 : vector<16xf32>
        %add3A_326 = arith.addf %add3A_320, %mul3A_325 : vector<16xf32>
        %add3A_327 = arith.constant 48 : i32
        %add3A_328 = vector.broadcast %add3A_327 : i32 to vector<16xi32>
        %add3A_329 = arith.addi %add3A_312, %add3A_328 : vector<16xi32>
        %gather3A_330 = tpu.vector_load_idx %arg14[%broadcast_in_dim3A_307, %add3A_329] : memref<800x128xf32, #tpu.memory_space<vmem>>[vector<16xi32>, vector<16xi32>], vector<16xf32>,
        %mul3A_331 = arith.mulf %gather3A_330, %gather3A_218 : vector<16xf32>
        %add3A_332 = arith.addf %add3A_326, %mul3A_331 : vector<16xf32>
        tpu.vector_store_idx %arg15[%broadcast_in_dim3A_307], %add3A_332 {add = true} : memref<800xf32, #tpu.memory_space<vmem>>[vector<16xi32>], vector<16xf32>,
        %add3A_333 = arith.constant 4 : i32
        %add3A_334 = arith.addi %mul3A_220, %add3A_333 : i32
        %broadcast_in_dim3A_335 = vector.broadcast %add3A_334 : i32 to vector<16xi32>
        %gather3A_336 = tpu.vector_load_idx %arg12[%broadcast_in_dim3A_335] : memref<800xi32, #tpu.memory_space<vmem>>[vector<16xi32>], vector<16xi32>,
        %mul3A_337 = arith.constant 64 : i32
        %mul3A_338 = vector.broadcast %mul3A_337 : i32 to vector<16xi32>
        %mul3A_339 = arith.muli %gather3A_336, %mul3A_338 : vector<16xi32>
        %add3A_340 = arith.addi %mul3A_339, %iota3A : vector<16xi32>
        %gather3A_341 = tpu.vector_load_idx %arg14[%broadcast_in_dim3A_335, %add3A_340] : memref<800x128xf32, #tpu.memory_space<vmem>>[vector<16xi32>, vector<16xi32>], vector<16xf32>,
        %mul3A_342 = arith.mulf %gather3A_341, %gather3A_206 : vector<16xf32>
        %add3A_343 = arith.constant 16 : i32
        %add3A_344 = vector.broadcast %add3A_343 : i32 to vector<16xi32>
        %add3A_345 = arith.addi %add3A_340, %add3A_344 : vector<16xi32>
        %gather3A_346 = tpu.vector_load_idx %arg14[%broadcast_in_dim3A_335, %add3A_345] : memref<800x128xf32, #tpu.memory_space<vmem>>[vector<16xi32>, vector<16xi32>], vector<16xf32>,
        %mul3A_347 = arith.mulf %gather3A_346, %gather3A_210 : vector<16xf32>
        %add3A_348 = arith.addf %mul3A_342, %mul3A_347 : vector<16xf32>
        %add3A_349 = arith.constant 32 : i32
        %add3A_350 = vector.broadcast %add3A_349 : i32 to vector<16xi32>
        %add3A_351 = arith.addi %add3A_340, %add3A_350 : vector<16xi32>
        %gather3A_352 = tpu.vector_load_idx %arg14[%broadcast_in_dim3A_335, %add3A_351] : memref<800x128xf32, #tpu.memory_space<vmem>>[vector<16xi32>, vector<16xi32>], vector<16xf32>,
        %mul3A_353 = arith.mulf %gather3A_352, %gather3A_214 : vector<16xf32>
        %add3A_354 = arith.addf %add3A_348, %mul3A_353 : vector<16xf32>
        %add3A_355 = arith.constant 48 : i32
        %add3A_356 = vector.broadcast %add3A_355 : i32 to vector<16xi32>
        %add3A_357 = arith.addi %add3A_340, %add3A_356 : vector<16xi32>
        %gather3A_358 = tpu.vector_load_idx %arg14[%broadcast_in_dim3A_335, %add3A_357] : memref<800x128xf32, #tpu.memory_space<vmem>>[vector<16xi32>, vector<16xi32>], vector<16xf32>,
        %mul3A_359 = arith.mulf %gather3A_358, %gather3A_218 : vector<16xf32>
        %add3A_360 = arith.addf %add3A_354, %mul3A_359 : vector<16xf32>
        tpu.vector_store_idx %arg15[%broadcast_in_dim3A_335], %add3A_360 {add = true} : memref<800xf32, #tpu.memory_space<vmem>>[vector<16xi32>], vector<16xf32>,
        %add3A_361 = arith.constant 5 : i32
        %add3A_362 = arith.addi %mul3A_220, %add3A_361 : i32
        %broadcast_in_dim3A_363 = vector.broadcast %add3A_362 : i32 to vector<16xi32>
        %gather3A_364 = tpu.vector_load_idx %arg12[%broadcast_in_dim3A_363] : memref<800xi32, #tpu.memory_space<vmem>>[vector<16xi32>], vector<16xi32>,
        %mul3A_365 = arith.constant 64 : i32
        %mul3A_366 = vector.broadcast %mul3A_365 : i32 to vector<16xi32>
        %mul3A_367 = arith.muli %gather3A_364, %mul3A_366 : vector<16xi32>
        %add3A_368 = arith.addi %mul3A_367, %iota3A : vector<16xi32>
        %gather3A_369 = tpu.vector_load_idx %arg14[%broadcast_in_dim3A_363, %add3A_368] : memref<800x128xf32, #tpu.memory_space<vmem>>[vector<16xi32>, vector<16xi32>], vector<16xf32>,
        %mul3A_370 = arith.mulf %gather3A_369, %gather3A_206 : vector<16xf32>
        %add3A_371 = arith.constant 16 : i32
        %add3A_372 = vector.broadcast %add3A_371 : i32 to vector<16xi32>
        %add3A_373 = arith.addi %add3A_368, %add3A_372 : vector<16xi32>
        %gather3A_374 = tpu.vector_load_idx %arg14[%broadcast_in_dim3A_363, %add3A_373] : memref<800x128xf32, #tpu.memory_space<vmem>>[vector<16xi32>, vector<16xi32>], vector<16xf32>,
        %mul3A_375 = arith.mulf %gather3A_374, %gather3A_210 : vector<16xf32>
        %add3A_376 = arith.addf %mul3A_370, %mul3A_375 : vector<16xf32>
        %add3A_377 = arith.constant 32 : i32
        %add3A_378 = vector.broadcast %add3A_377 : i32 to vector<16xi32>
        %add3A_379 = arith.addi %add3A_368, %add3A_378 : vector<16xi32>
        %gather3A_380 = tpu.vector_load_idx %arg14[%broadcast_in_dim3A_363, %add3A_379] : memref<800x128xf32, #tpu.memory_space<vmem>>[vector<16xi32>, vector<16xi32>], vector<16xf32>,
        %mul3A_381 = arith.mulf %gather3A_380, %gather3A_214 : vector<16xf32>
        %add3A_382 = arith.addf %add3A_376, %mul3A_381 : vector<16xf32>
        %add3A_383 = arith.constant 48 : i32
        %add3A_384 = vector.broadcast %add3A_383 : i32 to vector<16xi32>
        %add3A_385 = arith.addi %add3A_368, %add3A_384 : vector<16xi32>
        %gather3A_386 = tpu.vector_load_idx %arg14[%broadcast_in_dim3A_363, %add3A_385] : memref<800x128xf32, #tpu.memory_space<vmem>>[vector<16xi32>, vector<16xi32>], vector<16xf32>,
        %mul3A_387 = arith.mulf %gather3A_386, %gather3A_218 : vector<16xf32>
        %add3A_388 = arith.addf %add3A_382, %mul3A_387 : vector<16xf32>
        tpu.vector_store_idx %arg15[%broadcast_in_dim3A_363], %add3A_388 {add = true} : memref<800xf32, #tpu.memory_space<vmem>>[vector<16xi32>], vector<16xf32>,
        %add3A_389 = arith.constant 6 : i32
        %add3A_390 = arith.addi %mul3A_220, %add3A_389 : i32
        %broadcast_in_dim3A_391 = vector.broadcast %add3A_390 : i32 to vector<16xi32>
        %gather3A_392 = tpu.vector_load_idx %arg12[%broadcast_in_dim3A_391] : memref<800xi32, #tpu.memory_space<vmem>>[vector<16xi32>], vector<16xi32>,
        %mul3A_393 = arith.constant 64 : i32
        %mul3A_394 = vector.broadcast %mul3A_393 : i32 to vector<16xi32>
        %mul3A_395 = arith.muli %gather3A_392, %mul3A_394 : vector<16xi32>
        %add3A_396 = arith.addi %mul3A_395, %iota3A : vector<16xi32>
        %gather3A_397 = tpu.vector_load_idx %arg14[%broadcast_in_dim3A_391, %add3A_396] : memref<800x128xf32, #tpu.memory_space<vmem>>[vector<16xi32>, vector<16xi32>], vector<16xf32>,
        %mul3A_398 = arith.mulf %gather3A_397, %gather3A_206 : vector<16xf32>
        %add3A_399 = arith.constant 16 : i32
        %add3A_400 = vector.broadcast %add3A_399 : i32 to vector<16xi32>
        %add3A_401 = arith.addi %add3A_396, %add3A_400 : vector<16xi32>
        %gather3A_402 = tpu.vector_load_idx %arg14[%broadcast_in_dim3A_391, %add3A_401] : memref<800x128xf32, #tpu.memory_space<vmem>>[vector<16xi32>, vector<16xi32>], vector<16xf32>,
        %mul3A_403 = arith.mulf %gather3A_402, %gather3A_210 : vector<16xf32>
        %add3A_404 = arith.addf %mul3A_398, %mul3A_403 : vector<16xf32>
        %add3A_405 = arith.constant 32 : i32
        %add3A_406 = vector.broadcast %add3A_405 : i32 to vector<16xi32>
        %add3A_407 = arith.addi %add3A_396, %add3A_406 : vector<16xi32>
        %gather3A_408 = tpu.vector_load_idx %arg14[%broadcast_in_dim3A_391, %add3A_407] : memref<800x128xf32, #tpu.memory_space<vmem>>[vector<16xi32>, vector<16xi32>], vector<16xf32>,
        %mul3A_409 = arith.mulf %gather3A_408, %gather3A_214 : vector<16xf32>
        %add3A_410 = arith.addf %add3A_404, %mul3A_409 : vector<16xf32>
        %add3A_411 = arith.constant 48 : i32
        %add3A_412 = vector.broadcast %add3A_411 : i32 to vector<16xi32>
        %add3A_413 = arith.addi %add3A_396, %add3A_412 : vector<16xi32>
        %gather3A_414 = tpu.vector_load_idx %arg14[%broadcast_in_dim3A_391, %add3A_413] : memref<800x128xf32, #tpu.memory_space<vmem>>[vector<16xi32>, vector<16xi32>], vector<16xf32>,
        %mul3A_415 = arith.mulf %gather3A_414, %gather3A_218 : vector<16xf32>
        %add3A_416 = arith.addf %add3A_410, %mul3A_415 : vector<16xf32>
        tpu.vector_store_idx %arg15[%broadcast_in_dim3A_391], %add3A_416 {add = true} : memref<800xf32, #tpu.memory_space<vmem>>[vector<16xi32>], vector<16xf32>,
        %add3A_417 = arith.constant 7 : i32
        %add3A_418 = arith.addi %mul3A_220, %add3A_417 : i32
        %broadcast_in_dim3A_419 = vector.broadcast %add3A_418 : i32 to vector<16xi32>
        %gather3A_420 = tpu.vector_load_idx %arg12[%broadcast_in_dim3A_419] : memref<800xi32, #tpu.memory_space<vmem>>[vector<16xi32>], vector<16xi32>,
        %mul3A_421 = arith.constant 64 : i32
        %mul3A_422 = vector.broadcast %mul3A_421 : i32 to vector<16xi32>
        %mul3A_423 = arith.muli %gather3A_420, %mul3A_422 : vector<16xi32>
        %add3A_424 = arith.addi %mul3A_423, %iota3A : vector<16xi32>
        %gather3A_425 = tpu.vector_load_idx %arg14[%broadcast_in_dim3A_419, %add3A_424] : memref<800x128xf32, #tpu.memory_space<vmem>>[vector<16xi32>, vector<16xi32>], vector<16xf32>,
        %mul3A_426 = arith.mulf %gather3A_425, %gather3A_206 : vector<16xf32>
        %add3A_427 = arith.constant 16 : i32
        %add3A_428 = vector.broadcast %add3A_427 : i32 to vector<16xi32>
        %add3A_429 = arith.addi %add3A_424, %add3A_428 : vector<16xi32>
        %gather3A_430 = tpu.vector_load_idx %arg14[%broadcast_in_dim3A_419, %add3A_429] : memref<800x128xf32, #tpu.memory_space<vmem>>[vector<16xi32>, vector<16xi32>], vector<16xf32>,
        %mul3A_431 = arith.mulf %gather3A_430, %gather3A_210 : vector<16xf32>
        %add3A_432 = arith.addf %mul3A_426, %mul3A_431 : vector<16xf32>
        %add3A_433 = arith.constant 32 : i32
        %add3A_434 = vector.broadcast %add3A_433 : i32 to vector<16xi32>
        %add3A_435 = arith.addi %add3A_424, %add3A_434 : vector<16xi32>
        %gather3A_436 = tpu.vector_load_idx %arg14[%broadcast_in_dim3A_419, %add3A_435] : memref<800x128xf32, #tpu.memory_space<vmem>>[vector<16xi32>, vector<16xi32>], vector<16xf32>,
        %mul3A_437 = arith.mulf %gather3A_436, %gather3A_214 : vector<16xf32>
        %add3A_438 = arith.addf %add3A_432, %mul3A_437 : vector<16xf32>
        %add3A_439 = arith.constant 48 : i32
        %add3A_440 = vector.broadcast %add3A_439 : i32 to vector<16xi32>
        %add3A_441 = arith.addi %add3A_424, %add3A_440 : vector<16xi32>
        %gather3A_442 = tpu.vector_load_idx %arg14[%broadcast_in_dim3A_419, %add3A_441] : memref<800x128xf32, #tpu.memory_space<vmem>>[vector<16xi32>, vector<16xi32>], vector<16xf32>,
        %mul3A_443 = arith.mulf %gather3A_442, %gather3A_218 : vector<16xf32>
        %add3A_444 = arith.addf %add3A_438, %mul3A_443 : vector<16xf32>
        tpu.vector_store_idx %arg15[%broadcast_in_dim3A_419], %add3A_444 {add = true} : memref<800xf32, #tpu.memory_space<vmem>>[vector<16xi32>], vector<16xf32>,
        %add3A_445 = arith.constant 8 : i32
        %add3A_446 = arith.addi %mul3A_220, %add3A_445 : i32
        %broadcast_in_dim3A_447 = vector.broadcast %add3A_446 : i32 to vector<16xi32>
        %gather3A_448 = tpu.vector_load_idx %arg12[%broadcast_in_dim3A_447] : memref<800xi32, #tpu.memory_space<vmem>>[vector<16xi32>], vector<16xi32>,
        %mul3A_449 = arith.constant 64 : i32
        %mul3A_450 = vector.broadcast %mul3A_449 : i32 to vector<16xi32>
        %mul3A_451 = arith.muli %gather3A_448, %mul3A_450 : vector<16xi32>
        %add3A_452 = arith.addi %mul3A_451, %iota3A : vector<16xi32>
        %gather3A_453 = tpu.vector_load_idx %arg14[%broadcast_in_dim3A_447, %add3A_452] : memref<800x128xf32, #tpu.memory_space<vmem>>[vector<16xi32>, vector<16xi32>], vector<16xf32>,
        %mul3A_454 = arith.mulf %gather3A_453, %gather3A_206 : vector<16xf32>
        %add3A_455 = arith.constant 16 : i32
        %add3A_456 = vector.broadcast %add3A_455 : i32 to vector<16xi32>
        %add3A_457 = arith.addi %add3A_452, %add3A_456 : vector<16xi32>
        %gather3A_458 = tpu.vector_load_idx %arg14[%broadcast_in_dim3A_447, %add3A_457] : memref<800x128xf32, #tpu.memory_space<vmem>>[vector<16xi32>, vector<16xi32>], vector<16xf32>,
        %mul3A_459 = arith.mulf %gather3A_458, %gather3A_210 : vector<16xf32>
        %add3A_460 = arith.addf %mul3A_454, %mul3A_459 : vector<16xf32>
        %add3A_461 = arith.constant 32 : i32
        %add3A_462 = vector.broadcast %add3A_461 : i32 to vector<16xi32>
        %add3A_463 = arith.addi %add3A_452, %add3A_462 : vector<16xi32>
        %gather3A_464 = tpu.vector_load_idx %arg14[%broadcast_in_dim3A_447, %add3A_463] : memref<800x128xf32, #tpu.memory_space<vmem>>[vector<16xi32>, vector<16xi32>], vector<16xf32>,
        %mul3A_465 = arith.mulf %gather3A_464, %gather3A_214 : vector<16xf32>
        %add3A_466 = arith.addf %add3A_460, %mul3A_465 : vector<16xf32>
        %add3A_467 = arith.constant 48 : i32
        %add3A_468 = vector.broadcast %add3A_467 : i32 to vector<16xi32>
        %add3A_469 = arith.addi %add3A_452, %add3A_468 : vector<16xi32>
        %gather3A_470 = tpu.vector_load_idx %arg14[%broadcast_in_dim3A_447, %add3A_469] : memref<800x128xf32, #tpu.memory_space<vmem>>[vector<16xi32>, vector<16xi32>], vector<16xf32>,
        %mul3A_471 = arith.mulf %gather3A_470, %gather3A_218 : vector<16xf32>
        %add3A_472 = arith.addf %add3A_466, %mul3A_471 : vector<16xf32>
        tpu.vector_store_idx %arg15[%broadcast_in_dim3A_447], %add3A_472 {add = true} : memref<800xf32, #tpu.memory_space<vmem>>[vector<16xi32>], vector<16xf32>,
        %add3A_473 = arith.constant 9 : i32
        %add3A_474 = arith.addi %mul3A_220, %add3A_473 : i32
        %broadcast_in_dim3A_475 = vector.broadcast %add3A_474 : i32 to vector<16xi32>
        %gather3A_476 = tpu.vector_load_idx %arg12[%broadcast_in_dim3A_475] : memref<800xi32, #tpu.memory_space<vmem>>[vector<16xi32>], vector<16xi32>,
        %mul3A_477 = arith.constant 64 : i32
        %mul3A_478 = vector.broadcast %mul3A_477 : i32 to vector<16xi32>
        %mul3A_479 = arith.muli %gather3A_476, %mul3A_478 : vector<16xi32>
        %add3A_480 = arith.addi %mul3A_479, %iota3A : vector<16xi32>
        %gather3A_481 = tpu.vector_load_idx %arg14[%broadcast_in_dim3A_475, %add3A_480] : memref<800x128xf32, #tpu.memory_space<vmem>>[vector<16xi32>, vector<16xi32>], vector<16xf32>,
        %mul3A_482 = arith.mulf %gather3A_481, %gather3A_206 : vector<16xf32>
        %add3A_483 = arith.constant 16 : i32
        %add3A_484 = vector.broadcast %add3A_483 : i32 to vector<16xi32>
        %add3A_485 = arith.addi %add3A_480, %add3A_484 : vector<16xi32>
        %gather3A_486 = tpu.vector_load_idx %arg14[%broadcast_in_dim3A_475, %add3A_485] : memref<800x128xf32, #tpu.memory_space<vmem>>[vector<16xi32>, vector<16xi32>], vector<16xf32>,
        %mul3A_487 = arith.mulf %gather3A_486, %gather3A_210 : vector<16xf32>
        %add3A_488 = arith.addf %mul3A_482, %mul3A_487 : vector<16xf32>
        %add3A_489 = arith.constant 32 : i32
        %add3A_490 = vector.broadcast %add3A_489 : i32 to vector<16xi32>
        %add3A_491 = arith.addi %add3A_480, %add3A_490 : vector<16xi32>
        %gather3A_492 = tpu.vector_load_idx %arg14[%broadcast_in_dim3A_475, %add3A_491] : memref<800x128xf32, #tpu.memory_space<vmem>>[vector<16xi32>, vector<16xi32>], vector<16xf32>,
        %mul3A_493 = arith.mulf %gather3A_492, %gather3A_214 : vector<16xf32>
        %add3A_494 = arith.addf %add3A_488, %mul3A_493 : vector<16xf32>
        %add3A_495 = arith.constant 48 : i32
        %add3A_496 = vector.broadcast %add3A_495 : i32 to vector<16xi32>
        %add3A_497 = arith.addi %add3A_480, %add3A_496 : vector<16xi32>
        %gather3A_498 = tpu.vector_load_idx %arg14[%broadcast_in_dim3A_475, %add3A_497] : memref<800x128xf32, #tpu.memory_space<vmem>>[vector<16xi32>, vector<16xi32>], vector<16xf32>,
        %mul3A_499 = arith.mulf %gather3A_498, %gather3A_218 : vector<16xf32>
        %add3A_500 = arith.addf %add3A_494, %mul3A_499 : vector<16xf32>
        tpu.vector_store_idx %arg15[%broadcast_in_dim3A_475], %add3A_500 {add = true} : memref<800xf32, #tpu.memory_space<vmem>>[vector<16xi32>], vector<16xf32>,
        %add3A_501 = arith.constant 10 : i32
        %add3A_502 = arith.addi %mul3A_220, %add3A_501 : i32
        %broadcast_in_dim3A_503 = vector.broadcast %add3A_502 : i32 to vector<16xi32>
        %gather3A_504 = tpu.vector_load_idx %arg12[%broadcast_in_dim3A_503] : memref<800xi32, #tpu.memory_space<vmem>>[vector<16xi32>], vector<16xi32>,
        %mul3A_505 = arith.constant 64 : i32
        %mul3A_506 = vector.broadcast %mul3A_505 : i32 to vector<16xi32>
        %mul3A_507 = arith.muli %gather3A_504, %mul3A_506 : vector<16xi32>
        %add3A_508 = arith.addi %mul3A_507, %iota3A : vector<16xi32>
        %gather3A_509 = tpu.vector_load_idx %arg14[%broadcast_in_dim3A_503, %add3A_508] : memref<800x128xf32, #tpu.memory_space<vmem>>[vector<16xi32>, vector<16xi32>], vector<16xf32>,
        %mul3A_510 = arith.mulf %gather3A_509, %gather3A_206 : vector<16xf32>
        %add3A_511 = arith.constant 16 : i32
        %add3A_512 = vector.broadcast %add3A_511 : i32 to vector<16xi32>
        %add3A_513 = arith.addi %add3A_508, %add3A_512 : vector<16xi32>
        %gather3A_514 = tpu.vector_load_idx %arg14[%broadcast_in_dim3A_503, %add3A_513] : memref<800x128xf32, #tpu.memory_space<vmem>>[vector<16xi32>, vector<16xi32>], vector<16xf32>,
        %mul3A_515 = arith.mulf %gather3A_514, %gather3A_210 : vector<16xf32>
        %add3A_516 = arith.addf %mul3A_510, %mul3A_515 : vector<16xf32>
        %add3A_517 = arith.constant 32 : i32
        %add3A_518 = vector.broadcast %add3A_517 : i32 to vector<16xi32>
        %add3A_519 = arith.addi %add3A_508, %add3A_518 : vector<16xi32>
        %gather3A_520 = tpu.vector_load_idx %arg14[%broadcast_in_dim3A_503, %add3A_519] : memref<800x128xf32, #tpu.memory_space<vmem>>[vector<16xi32>, vector<16xi32>], vector<16xf32>,
        %mul3A_521 = arith.mulf %gather3A_520, %gather3A_214 : vector<16xf32>
        %add3A_522 = arith.addf %add3A_516, %mul3A_521 : vector<16xf32>
        %add3A_523 = arith.constant 48 : i32
        %add3A_524 = vector.broadcast %add3A_523 : i32 to vector<16xi32>
        %add3A_525 = arith.addi %add3A_508, %add3A_524 : vector<16xi32>
        %gather3A_526 = tpu.vector_load_idx %arg14[%broadcast_in_dim3A_503, %add3A_525] : memref<800x128xf32, #tpu.memory_space<vmem>>[vector<16xi32>, vector<16xi32>], vector<16xf32>,
        %mul3A_527 = arith.mulf %gather3A_526, %gather3A_218 : vector<16xf32>
        %add3A_528 = arith.addf %add3A_522, %mul3A_527 : vector<16xf32>
        tpu.vector_store_idx %arg15[%broadcast_in_dim3A_503], %add3A_528 {add = true} : memref<800xf32, #tpu.memory_space<vmem>>[vector<16xi32>], vector<16xf32>,
        %add3A_529 = arith.constant 11 : i32
        %add3A_530 = arith.addi %mul3A_220, %add3A_529 : i32
        %broadcast_in_dim3A_531 = vector.broadcast %add3A_530 : i32 to vector<16xi32>
        %gather3A_532 = tpu.vector_load_idx %arg12[%broadcast_in_dim3A_531] : memref<800xi32, #tpu.memory_space<vmem>>[vector<16xi32>], vector<16xi32>,
        %mul3A_533 = arith.constant 64 : i32
        %mul3A_534 = vector.broadcast %mul3A_533 : i32 to vector<16xi32>
        %mul3A_535 = arith.muli %gather3A_532, %mul3A_534 : vector<16xi32>
        %add3A_536 = arith.addi %mul3A_535, %iota3A : vector<16xi32>
        %gather3A_537 = tpu.vector_load_idx %arg14[%broadcast_in_dim3A_531, %add3A_536] : memref<800x128xf32, #tpu.memory_space<vmem>>[vector<16xi32>, vector<16xi32>], vector<16xf32>,
        %mul3A_538 = arith.mulf %gather3A_537, %gather3A_206 : vector<16xf32>
        %add3A_539 = arith.constant 16 : i32
        %add3A_540 = vector.broadcast %add3A_539 : i32 to vector<16xi32>
        %add3A_541 = arith.addi %add3A_536, %add3A_540 : vector<16xi32>
        %gather3A_542 = tpu.vector_load_idx %arg14[%broadcast_in_dim3A_531, %add3A_541] : memref<800x128xf32, #tpu.memory_space<vmem>>[vector<16xi32>, vector<16xi32>], vector<16xf32>,
        %mul3A_543 = arith.mulf %gather3A_542, %gather3A_210 : vector<16xf32>
        %add3A_544 = arith.addf %mul3A_538, %mul3A_543 : vector<16xf32>
        %add3A_545 = arith.constant 32 : i32
        %add3A_546 = vector.broadcast %add3A_545 : i32 to vector<16xi32>
        %add3A_547 = arith.addi %add3A_536, %add3A_546 : vector<16xi32>
        %gather3A_548 = tpu.vector_load_idx %arg14[%broadcast_in_dim3A_531, %add3A_547] : memref<800x128xf32, #tpu.memory_space<vmem>>[vector<16xi32>, vector<16xi32>], vector<16xf32>,
        %mul3A_549 = arith.mulf %gather3A_548, %gather3A_214 : vector<16xf32>
        %add3A_550 = arith.addf %add3A_544, %mul3A_549 : vector<16xf32>
        %add3A_551 = arith.constant 48 : i32
        %add3A_552 = vector.broadcast %add3A_551 : i32 to vector<16xi32>
        %add3A_553 = arith.addi %add3A_536, %add3A_552 : vector<16xi32>
        %gather3A_554 = tpu.vector_load_idx %arg14[%broadcast_in_dim3A_531, %add3A_553] : memref<800x128xf32, #tpu.memory_space<vmem>>[vector<16xi32>, vector<16xi32>], vector<16xf32>,
        %mul3A_555 = arith.mulf %gather3A_554, %gather3A_218 : vector<16xf32>
        %add3A_556 = arith.addf %add3A_550, %mul3A_555 : vector<16xf32>
        tpu.vector_store_idx %arg15[%broadcast_in_dim3A_531], %add3A_556 {add = true} : memref<800xf32, #tpu.memory_space<vmem>>[vector<16xi32>], vector<16xf32>,
        %add3A_557 = arith.constant 12 : i32
        %add3A_558 = arith.addi %mul3A_220, %add3A_557 : i32
        %broadcast_in_dim3A_559 = vector.broadcast %add3A_558 : i32 to vector<16xi32>
        %gather3A_560 = tpu.vector_load_idx %arg12[%broadcast_in_dim3A_559] : memref<800xi32, #tpu.memory_space<vmem>>[vector<16xi32>], vector<16xi32>,
        %mul3A_561 = arith.constant 64 : i32
        %mul3A_562 = vector.broadcast %mul3A_561 : i32 to vector<16xi32>
        %mul3A_563 = arith.muli %gather3A_560, %mul3A_562 : vector<16xi32>
        %add3A_564 = arith.addi %mul3A_563, %iota3A : vector<16xi32>
        %gather3A_565 = tpu.vector_load_idx %arg14[%broadcast_in_dim3A_559, %add3A_564] : memref<800x128xf32, #tpu.memory_space<vmem>>[vector<16xi32>, vector<16xi32>], vector<16xf32>,
        %mul3A_566 = arith.mulf %gather3A_565, %gather3A_206 : vector<16xf32>
        %add3A_567 = arith.constant 16 : i32
        %add3A_568 = vector.broadcast %add3A_567 : i32 to vector<16xi32>
        %add3A_569 = arith.addi %add3A_564, %add3A_568 : vector<16xi32>
        %gather3A_570 = tpu.vector_load_idx %arg14[%broadcast_in_dim3A_559, %add3A_569] : memref<800x128xf32, #tpu.memory_space<vmem>>[vector<16xi32>, vector<16xi32>], vector<16xf32>,
        %mul3A_571 = arith.mulf %gather3A_570, %gather3A_210 : vector<16xf32>
        %add3A_572 = arith.addf %mul3A_566, %mul3A_571 : vector<16xf32>
        %add3A_573 = arith.constant 32 : i32
        %add3A_574 = vector.broadcast %add3A_573 : i32 to vector<16xi32>
        %add3A_575 = arith.addi %add3A_564, %add3A_574 : vector<16xi32>
        %gather3A_576 = tpu.vector_load_idx %arg14[%broadcast_in_dim3A_559, %add3A_575] : memref<800x128xf32, #tpu.memory_space<vmem>>[vector<16xi32>, vector<16xi32>], vector<16xf32>,
        %mul3A_577 = arith.mulf %gather3A_576, %gather3A_214 : vector<16xf32>
        %add3A_578 = arith.addf %add3A_572, %mul3A_577 : vector<16xf32>
        %add3A_579 = arith.constant 48 : i32
        %add3A_580 = vector.broadcast %add3A_579 : i32 to vector<16xi32>
        %add3A_581 = arith.addi %add3A_564, %add3A_580 : vector<16xi32>
        %gather3A_582 = tpu.vector_load_idx %arg14[%broadcast_in_dim3A_559, %add3A_581] : memref<800x128xf32, #tpu.memory_space<vmem>>[vector<16xi32>, vector<16xi32>], vector<16xf32>,
        %mul3A_583 = arith.mulf %gather3A_582, %gather3A_218 : vector<16xf32>
        %add3A_584 = arith.addf %add3A_578, %mul3A_583 : vector<16xf32>
        tpu.vector_store_idx %arg15[%broadcast_in_dim3A_559], %add3A_584 {add = true} : memref<800xf32, #tpu.memory_space<vmem>>[vector<16xi32>], vector<16xf32>,
        %add3A_585 = arith.constant 13 : i32
        %add3A_586 = arith.addi %mul3A_220, %add3A_585 : i32
        %broadcast_in_dim3A_587 = vector.broadcast %add3A_586 : i32 to vector<16xi32>
        %gather3A_588 = tpu.vector_load_idx %arg12[%broadcast_in_dim3A_587] : memref<800xi32, #tpu.memory_space<vmem>>[vector<16xi32>], vector<16xi32>,
        %mul3A_589 = arith.constant 64 : i32
        %mul3A_590 = vector.broadcast %mul3A_589 : i32 to vector<16xi32>
        %mul3A_591 = arith.muli %gather3A_588, %mul3A_590 : vector<16xi32>
        %add3A_592 = arith.addi %mul3A_591, %iota3A : vector<16xi32>
        %gather3A_593 = tpu.vector_load_idx %arg14[%broadcast_in_dim3A_587, %add3A_592] : memref<800x128xf32, #tpu.memory_space<vmem>>[vector<16xi32>, vector<16xi32>], vector<16xf32>,
        %mul3A_594 = arith.mulf %gather3A_593, %gather3A_206 : vector<16xf32>
        %add3A_595 = arith.constant 16 : i32
        %add3A_596 = vector.broadcast %add3A_595 : i32 to vector<16xi32>
        %add3A_597 = arith.addi %add3A_592, %add3A_596 : vector<16xi32>
        %gather3A_598 = tpu.vector_load_idx %arg14[%broadcast_in_dim3A_587, %add3A_597] : memref<800x128xf32, #tpu.memory_space<vmem>>[vector<16xi32>, vector<16xi32>], vector<16xf32>,
        %mul3A_599 = arith.mulf %gather3A_598, %gather3A_210 : vector<16xf32>
        %add3A_600 = arith.addf %mul3A_594, %mul3A_599 : vector<16xf32>
        %add3A_601 = arith.constant 32 : i32
        %add3A_602 = vector.broadcast %add3A_601 : i32 to vector<16xi32>
        %add3A_603 = arith.addi %add3A_592, %add3A_602 : vector<16xi32>
        %gather3A_604 = tpu.vector_load_idx %arg14[%broadcast_in_dim3A_587, %add3A_603] : memref<800x128xf32, #tpu.memory_space<vmem>>[vector<16xi32>, vector<16xi32>], vector<16xf32>,
        %mul3A_605 = arith.mulf %gather3A_604, %gather3A_214 : vector<16xf32>
        %add3A_606 = arith.addf %add3A_600, %mul3A_605 : vector<16xf32>
        %add3A_607 = arith.constant 48 : i32
        %add3A_608 = vector.broadcast %add3A_607 : i32 to vector<16xi32>
        %add3A_609 = arith.addi %add3A_592, %add3A_608 : vector<16xi32>
        %gather3A_610 = tpu.vector_load_idx %arg14[%broadcast_in_dim3A_587, %add3A_609] : memref<800x128xf32, #tpu.memory_space<vmem>>[vector<16xi32>, vector<16xi32>], vector<16xf32>,
        %mul3A_611 = arith.mulf %gather3A_610, %gather3A_218 : vector<16xf32>
        %add3A_612 = arith.addf %add3A_606, %mul3A_611 : vector<16xf32>
        tpu.vector_store_idx %arg15[%broadcast_in_dim3A_587], %add3A_612 {add = true} : memref<800xf32, #tpu.memory_space<vmem>>[vector<16xi32>], vector<16xf32>,
        %add3A_613 = arith.constant 14 : i32
        %add3A_614 = arith.addi %mul3A_220, %add3A_613 : i32
        %broadcast_in_dim3A_615 = vector.broadcast %add3A_614 : i32 to vector<16xi32>
        %gather3A_616 = tpu.vector_load_idx %arg12[%broadcast_in_dim3A_615] : memref<800xi32, #tpu.memory_space<vmem>>[vector<16xi32>], vector<16xi32>,
        %mul3A_617 = arith.constant 64 : i32
        %mul3A_618 = vector.broadcast %mul3A_617 : i32 to vector<16xi32>
        %mul3A_619 = arith.muli %gather3A_616, %mul3A_618 : vector<16xi32>
        %add3A_620 = arith.addi %mul3A_619, %iota3A : vector<16xi32>
        %gather3A_621 = tpu.vector_load_idx %arg14[%broadcast_in_dim3A_615, %add3A_620] : memref<800x128xf32, #tpu.memory_space<vmem>>[vector<16xi32>, vector<16xi32>], vector<16xf32>,
        %mul3A_622 = arith.mulf %gather3A_621, %gather3A_206 : vector<16xf32>
        %add3A_623 = arith.constant 16 : i32
        %add3A_624 = vector.broadcast %add3A_623 : i32 to vector<16xi32>
        %add3A_625 = arith.addi %add3A_620, %add3A_624 : vector<16xi32>
        %gather3A_626 = tpu.vector_load_idx %arg14[%broadcast_in_dim3A_615, %add3A_625] : memref<800x128xf32, #tpu.memory_space<vmem>>[vector<16xi32>, vector<16xi32>], vector<16xf32>,
        %mul3A_627 = arith.mulf %gather3A_626, %gather3A_210 : vector<16xf32>
        %add3A_628 = arith.addf %mul3A_622, %mul3A_627 : vector<16xf32>
        %add3A_629 = arith.constant 32 : i32
        %add3A_630 = vector.broadcast %add3A_629 : i32 to vector<16xi32>
        %add3A_631 = arith.addi %add3A_620, %add3A_630 : vector<16xi32>
        %gather3A_632 = tpu.vector_load_idx %arg14[%broadcast_in_dim3A_615, %add3A_631] : memref<800x128xf32, #tpu.memory_space<vmem>>[vector<16xi32>, vector<16xi32>], vector<16xf32>,
        %mul3A_633 = arith.mulf %gather3A_632, %gather3A_214 : vector<16xf32>
        %add3A_634 = arith.addf %add3A_628, %mul3A_633 : vector<16xf32>
        %add3A_635 = arith.constant 48 : i32
        %add3A_636 = vector.broadcast %add3A_635 : i32 to vector<16xi32>
        %add3A_637 = arith.addi %add3A_620, %add3A_636 : vector<16xi32>
        %gather3A_638 = tpu.vector_load_idx %arg14[%broadcast_in_dim3A_615, %add3A_637] : memref<800x128xf32, #tpu.memory_space<vmem>>[vector<16xi32>, vector<16xi32>], vector<16xf32>,
        %mul3A_639 = arith.mulf %gather3A_638, %gather3A_218 : vector<16xf32>
        %add3A_640 = arith.addf %add3A_634, %mul3A_639 : vector<16xf32>
        tpu.vector_store_idx %arg15[%broadcast_in_dim3A_615], %add3A_640 {add = true} : memref<800xf32, #tpu.memory_space<vmem>>[vector<16xi32>], vector<16xf32>,
        %add3A_641 = arith.constant 15 : i32
        %add3A_642 = arith.addi %mul3A_220, %add3A_641 : i32
        %broadcast_in_dim3A_643 = vector.broadcast %add3A_642 : i32 to vector<16xi32>
        %gather3A_644 = tpu.vector_load_idx %arg12[%broadcast_in_dim3A_643] : memref<800xi32, #tpu.memory_space<vmem>>[vector<16xi32>], vector<16xi32>,
        %mul3A_645 = arith.constant 64 : i32
        %mul3A_646 = vector.broadcast %mul3A_645 : i32 to vector<16xi32>
        %mul3A_647 = arith.muli %gather3A_644, %mul3A_646 : vector<16xi32>
        %add3A_648 = arith.addi %mul3A_647, %iota3A : vector<16xi32>
        %gather3A_649 = tpu.vector_load_idx %arg14[%broadcast_in_dim3A_643, %add3A_648] : memref<800x128xf32, #tpu.memory_space<vmem>>[vector<16xi32>, vector<16xi32>], vector<16xf32>,
        %mul3A_650 = arith.mulf %gather3A_649, %gather3A_206 : vector<16xf32>
        %add3A_651 = arith.constant 16 : i32
        %add3A_652 = vector.broadcast %add3A_651 : i32 to vector<16xi32>
        %add3A_653 = arith.addi %add3A_648, %add3A_652 : vector<16xi32>
        %gather3A_654 = tpu.vector_load_idx %arg14[%broadcast_in_dim3A_643, %add3A_653] : memref<800x128xf32, #tpu.memory_space<vmem>>[vector<16xi32>, vector<16xi32>], vector<16xf32>,
        %mul3A_655 = arith.mulf %gather3A_654, %gather3A_210 : vector<16xf32>
        %add3A_656 = arith.addf %mul3A_650, %mul3A_655 : vector<16xf32>
        %add3A_657 = arith.constant 32 : i32
        %add3A_658 = vector.broadcast %add3A_657 : i32 to vector<16xi32>
        %add3A_659 = arith.addi %add3A_648, %add3A_658 : vector<16xi32>
        %gather3A_660 = tpu.vector_load_idx %arg14[%broadcast_in_dim3A_643, %add3A_659] : memref<800x128xf32, #tpu.memory_space<vmem>>[vector<16xi32>, vector<16xi32>], vector<16xf32>,
        %mul3A_661 = arith.mulf %gather3A_660, %gather3A_214 : vector<16xf32>
        %add3A_662 = arith.addf %add3A_656, %mul3A_661 : vector<16xf32>
        %add3A_663 = arith.constant 48 : i32
        %add3A_664 = vector.broadcast %add3A_663 : i32 to vector<16xi32>
        %add3A_665 = arith.addi %add3A_648, %add3A_664 : vector<16xi32>
        %gather3A_666 = tpu.vector_load_idx %arg14[%broadcast_in_dim3A_643, %add3A_665] : memref<800x128xf32, #tpu.memory_space<vmem>>[vector<16xi32>, vector<16xi32>], vector<16xf32>,
        %mul3A_667 = arith.mulf %gather3A_666, %gather3A_218 : vector<16xf32>
        %add3A_668 = arith.addf %add3A_662, %mul3A_667 : vector<16xf32>
        tpu.vector_store_idx %arg15[%broadcast_in_dim3A_643], %add3A_668 {add = true} : memref<800xf32, #tpu.memory_space<vmem>>[vector<16xi32>], vector<16xf32>,
        %add3A_669 = arith.constant 16 : i32
        %add3A_670 = arith.addi %mul3A_220, %add3A_669 : i32
        %broadcast_in_dim3A_671 = vector.broadcast %add3A_670 : i32 to vector<16xi32>
        %gather3A_672 = tpu.vector_load_idx %arg12[%broadcast_in_dim3A_671] : memref<800xi32, #tpu.memory_space<vmem>>[vector<16xi32>], vector<16xi32>,
        %mul3A_673 = arith.constant 64 : i32
        %mul3A_674 = vector.broadcast %mul3A_673 : i32 to vector<16xi32>
        %mul3A_675 = arith.muli %gather3A_672, %mul3A_674 : vector<16xi32>
        %add3A_676 = arith.addi %mul3A_675, %iota3A : vector<16xi32>
        %gather3A_677 = tpu.vector_load_idx %arg14[%broadcast_in_dim3A_671, %add3A_676] : memref<800x128xf32, #tpu.memory_space<vmem>>[vector<16xi32>, vector<16xi32>], vector<16xf32>,
        %mul3A_678 = arith.mulf %gather3A_677, %gather3A_206 : vector<16xf32>
        %add3A_679 = arith.constant 16 : i32
        %add3A_680 = vector.broadcast %add3A_679 : i32 to vector<16xi32>
        %add3A_681 = arith.addi %add3A_676, %add3A_680 : vector<16xi32>
        %gather3A_682 = tpu.vector_load_idx %arg14[%broadcast_in_dim3A_671, %add3A_681] : memref<800x128xf32, #tpu.memory_space<vmem>>[vector<16xi32>, vector<16xi32>], vector<16xf32>,
        %mul3A_683 = arith.mulf %gather3A_682, %gather3A_210 : vector<16xf32>
        %add3A_684 = arith.addf %mul3A_678, %mul3A_683 : vector<16xf32>
        %add3A_685 = arith.constant 32 : i32
        %add3A_686 = vector.broadcast %add3A_685 : i32 to vector<16xi32>
        %add3A_687 = arith.addi %add3A_676, %add3A_686 : vector<16xi32>
        %gather3A_688 = tpu.vector_load_idx %arg14[%broadcast_in_dim3A_671, %add3A_687] : memref<800x128xf32, #tpu.memory_space<vmem>>[vector<16xi32>, vector<16xi32>], vector<16xf32>,
        %mul3A_689 = arith.mulf %gather3A_688, %gather3A_214 : vector<16xf32>
        %add3A_690 = arith.addf %add3A_684, %mul3A_689 : vector<16xf32>
        %add3A_691 = arith.constant 48 : i32
        %add3A_692 = vector.broadcast %add3A_691 : i32 to vector<16xi32>
        %add3A_693 = arith.addi %add3A_676, %add3A_692 : vector<16xi32>
        %gather3A_694 = tpu.vector_load_idx %arg14[%broadcast_in_dim3A_671, %add3A_693] : memref<800x128xf32, #tpu.memory_space<vmem>>[vector<16xi32>, vector<16xi32>], vector<16xf32>,
        %mul3A_695 = arith.mulf %gather3A_694, %gather3A_218 : vector<16xf32>
        %add3A_696 = arith.addf %add3A_690, %mul3A_695 : vector<16xf32>
        tpu.vector_store_idx %arg15[%broadcast_in_dim3A_671], %add3A_696 {add = true} : memref<800xf32, #tpu.memory_space<vmem>>[vector<16xi32>], vector<16xf32>,
        %add3A_697 = arith.constant 17 : i32
        %add3A_698 = arith.addi %mul3A_220, %add3A_697 : i32
        %broadcast_in_dim3A_699 = vector.broadcast %add3A_698 : i32 to vector<16xi32>
        %gather3A_700 = tpu.vector_load_idx %arg12[%broadcast_in_dim3A_699] : memref<800xi32, #tpu.memory_space<vmem>>[vector<16xi32>], vector<16xi32>,
        %mul3A_701 = arith.constant 64 : i32
        %mul3A_702 = vector.broadcast %mul3A_701 : i32 to vector<16xi32>
        %mul3A_703 = arith.muli %gather3A_700, %mul3A_702 : vector<16xi32>
        %add3A_704 = arith.addi %mul3A_703, %iota3A : vector<16xi32>
        %gather3A_705 = tpu.vector_load_idx %arg14[%broadcast_in_dim3A_699, %add3A_704] : memref<800x128xf32, #tpu.memory_space<vmem>>[vector<16xi32>, vector<16xi32>], vector<16xf32>,
        %mul3A_706 = arith.mulf %gather3A_705, %gather3A_206 : vector<16xf32>
        %add3A_707 = arith.constant 16 : i32
        %add3A_708 = vector.broadcast %add3A_707 : i32 to vector<16xi32>
        %add3A_709 = arith.addi %add3A_704, %add3A_708 : vector<16xi32>
        %gather3A_710 = tpu.vector_load_idx %arg14[%broadcast_in_dim3A_699, %add3A_709] : memref<800x128xf32, #tpu.memory_space<vmem>>[vector<16xi32>, vector<16xi32>], vector<16xf32>,
        %mul3A_711 = arith.mulf %gather3A_710, %gather3A_210 : vector<16xf32>
        %add3A_712 = arith.addf %mul3A_706, %mul3A_711 : vector<16xf32>
        %add3A_713 = arith.constant 32 : i32
        %add3A_714 = vector.broadcast %add3A_713 : i32 to vector<16xi32>
        %add3A_715 = arith.addi %add3A_704, %add3A_714 : vector<16xi32>
        %gather3A_716 = tpu.vector_load_idx %arg14[%broadcast_in_dim3A_699, %add3A_715] : memref<800x128xf32, #tpu.memory_space<vmem>>[vector<16xi32>, vector<16xi32>], vector<16xf32>,
        %mul3A_717 = arith.mulf %gather3A_716, %gather3A_214 : vector<16xf32>
        %add3A_718 = arith.addf %add3A_712, %mul3A_717 : vector<16xf32>
        %add3A_719 = arith.constant 48 : i32
        %add3A_720 = vector.broadcast %add3A_719 : i32 to vector<16xi32>
        %add3A_721 = arith.addi %add3A_704, %add3A_720 : vector<16xi32>
        %gather3A_722 = tpu.vector_load_idx %arg14[%broadcast_in_dim3A_699, %add3A_721] : memref<800x128xf32, #tpu.memory_space<vmem>>[vector<16xi32>, vector<16xi32>], vector<16xf32>,
        %mul3A_723 = arith.mulf %gather3A_722, %gather3A_218 : vector<16xf32>
        %add3A_724 = arith.addf %add3A_718, %mul3A_723 : vector<16xf32>
        tpu.vector_store_idx %arg15[%broadcast_in_dim3A_699], %add3A_724 {add = true} : memref<800xf32, #tpu.memory_space<vmem>>[vector<16xi32>], vector<16xf32>,
        %add3A_725 = arith.constant 18 : i32
        %add3A_726 = arith.addi %mul3A_220, %add3A_725 : i32
        %broadcast_in_dim3A_727 = vector.broadcast %add3A_726 : i32 to vector<16xi32>
        %gather3A_728 = tpu.vector_load_idx %arg12[%broadcast_in_dim3A_727] : memref<800xi32, #tpu.memory_space<vmem>>[vector<16xi32>], vector<16xi32>,
        %mul3A_729 = arith.constant 64 : i32
        %mul3A_730 = vector.broadcast %mul3A_729 : i32 to vector<16xi32>
        %mul3A_731 = arith.muli %gather3A_728, %mul3A_730 : vector<16xi32>
        %add3A_732 = arith.addi %mul3A_731, %iota3A : vector<16xi32>
        %gather3A_733 = tpu.vector_load_idx %arg14[%broadcast_in_dim3A_727, %add3A_732] : memref<800x128xf32, #tpu.memory_space<vmem>>[vector<16xi32>, vector<16xi32>], vector<16xf32>,
        %mul3A_734 = arith.mulf %gather3A_733, %gather3A_206 : vector<16xf32>
        %add3A_735 = arith.constant 16 : i32
        %add3A_736 = vector.broadcast %add3A_735 : i32 to vector<16xi32>
        %add3A_737 = arith.addi %add3A_732, %add3A_736 : vector<16xi32>
        %gather3A_738 = tpu.vector_load_idx %arg14[%broadcast_in_dim3A_727, %add3A_737] : memref<800x128xf32, #tpu.memory_space<vmem>>[vector<16xi32>, vector<16xi32>], vector<16xf32>,
        %mul3A_739 = arith.mulf %gather3A_738, %gather3A_210 : vector<16xf32>
        %add3A_740 = arith.addf %mul3A_734, %mul3A_739 : vector<16xf32>
        %add3A_741 = arith.constant 32 : i32
        %add3A_742 = vector.broadcast %add3A_741 : i32 to vector<16xi32>
        %add3A_743 = arith.addi %add3A_732, %add3A_742 : vector<16xi32>
        %gather3A_744 = tpu.vector_load_idx %arg14[%broadcast_in_dim3A_727, %add3A_743] : memref<800x128xf32, #tpu.memory_space<vmem>>[vector<16xi32>, vector<16xi32>], vector<16xf32>,
        %mul3A_745 = arith.mulf %gather3A_744, %gather3A_214 : vector<16xf32>
        %add3A_746 = arith.addf %add3A_740, %mul3A_745 : vector<16xf32>
        %add3A_747 = arith.constant 48 : i32
        %add3A_748 = vector.broadcast %add3A_747 : i32 to vector<16xi32>
        %add3A_749 = arith.addi %add3A_732, %add3A_748 : vector<16xi32>
        %gather3A_750 = tpu.vector_load_idx %arg14[%broadcast_in_dim3A_727, %add3A_749] : memref<800x128xf32, #tpu.memory_space<vmem>>[vector<16xi32>, vector<16xi32>], vector<16xf32>,
        %mul3A_751 = arith.mulf %gather3A_750, %gather3A_218 : vector<16xf32>
        %add3A_752 = arith.addf %add3A_746, %mul3A_751 : vector<16xf32>
        tpu.vector_store_idx %arg15[%broadcast_in_dim3A_727], %add3A_752 {add = true} : memref<800xf32, #tpu.memory_space<vmem>>[vector<16xi32>], vector<16xf32>,
        %add3A_753 = arith.constant 19 : i32
        %add3A_754 = arith.addi %mul3A_220, %add3A_753 : i32
        %broadcast_in_dim3A_755 = vector.broadcast %add3A_754 : i32 to vector<16xi32>
        %gather3A_756 = tpu.vector_load_idx %arg12[%broadcast_in_dim3A_755] : memref<800xi32, #tpu.memory_space<vmem>>[vector<16xi32>], vector<16xi32>,
        %mul3A_757 = arith.constant 64 : i32
        %mul3A_758 = vector.broadcast %mul3A_757 : i32 to vector<16xi32>
        %mul3A_759 = arith.muli %gather3A_756, %mul3A_758 : vector<16xi32>
        %add3A_760 = arith.addi %mul3A_759, %iota3A : vector<16xi32>
        %gather3A_761 = tpu.vector_load_idx %arg14[%broadcast_in_dim3A_755, %add3A_760] : memref<800x128xf32, #tpu.memory_space<vmem>>[vector<16xi32>, vector<16xi32>], vector<16xf32>,
        %mul3A_762 = arith.mulf %gather3A_761, %gather3A_206 : vector<16xf32>
        %add3A_763 = arith.constant 16 : i32
        %add3A_764 = vector.broadcast %add3A_763 : i32 to vector<16xi32>
        %add3A_765 = arith.addi %add3A_760, %add3A_764 : vector<16xi32>
        %gather3A_766 = tpu.vector_load_idx %arg14[%broadcast_in_dim3A_755, %add3A_765] : memref<800x128xf32, #tpu.memory_space<vmem>>[vector<16xi32>, vector<16xi32>], vector<16xf32>,
        %mul3A_767 = arith.mulf %gather3A_766, %gather3A_210 : vector<16xf32>
        %add3A_768 = arith.addf %mul3A_762, %mul3A_767 : vector<16xf32>
        %add3A_769 = arith.constant 32 : i32
        %add3A_770 = vector.broadcast %add3A_769 : i32 to vector<16xi32>
        %add3A_771 = arith.addi %add3A_760, %add3A_770 : vector<16xi32>
        %gather3A_772 = tpu.vector_load_idx %arg14[%broadcast_in_dim3A_755, %add3A_771] : memref<800x128xf32, #tpu.memory_space<vmem>>[vector<16xi32>, vector<16xi32>], vector<16xf32>,
        %mul3A_773 = arith.mulf %gather3A_772, %gather3A_214 : vector<16xf32>
        %add3A_774 = arith.addf %add3A_768, %mul3A_773 : vector<16xf32>
        %add3A_775 = arith.constant 48 : i32
        %add3A_776 = vector.broadcast %add3A_775 : i32 to vector<16xi32>
        %add3A_777 = arith.addi %add3A_760, %add3A_776 : vector<16xi32>
        %gather3A_778 = tpu.vector_load_idx %arg14[%broadcast_in_dim3A_755, %add3A_777] : memref<800x128xf32, #tpu.memory_space<vmem>>[vector<16xi32>, vector<16xi32>], vector<16xf32>,
        %mul3A_779 = arith.mulf %gather3A_778, %gather3A_218 : vector<16xf32>
        %add3A_780 = arith.addf %add3A_774, %mul3A_779 : vector<16xf32>
        tpu.vector_store_idx %arg15[%broadcast_in_dim3A_755], %add3A_780 {add = true} : memref<800xf32, #tpu.memory_space<vmem>>[vector<16xi32>], vector<16xf32>,
        %add3A_781 = arith.constant 20 : i32
        %add3A_782 = arith.addi %mul3A_220, %add3A_781 : i32
        %broadcast_in_dim3A_783 = vector.broadcast %add3A_782 : i32 to vector<16xi32>
        %gather3A_784 = tpu.vector_load_idx %arg12[%broadcast_in_dim3A_783] : memref<800xi32, #tpu.memory_space<vmem>>[vector<16xi32>], vector<16xi32>,
        %mul3A_785 = arith.constant 64 : i32
        %mul3A_786 = vector.broadcast %mul3A_785 : i32 to vector<16xi32>
        %mul3A_787 = arith.muli %gather3A_784, %mul3A_786 : vector<16xi32>
        %add3A_788 = arith.addi %mul3A_787, %iota3A : vector<16xi32>
        %gather3A_789 = tpu.vector_load_idx %arg14[%broadcast_in_dim3A_783, %add3A_788] : memref<800x128xf32, #tpu.memory_space<vmem>>[vector<16xi32>, vector<16xi32>], vector<16xf32>,
        %mul3A_790 = arith.mulf %gather3A_789, %gather3A_206 : vector<16xf32>
        %add3A_791 = arith.constant 16 : i32
        %add3A_792 = vector.broadcast %add3A_791 : i32 to vector<16xi32>
        %add3A_793 = arith.addi %add3A_788, %add3A_792 : vector<16xi32>
        %gather3A_794 = tpu.vector_load_idx %arg14[%broadcast_in_dim3A_783, %add3A_793] : memref<800x128xf32, #tpu.memory_space<vmem>>[vector<16xi32>, vector<16xi32>], vector<16xf32>,
        %mul3A_795 = arith.mulf %gather3A_794, %gather3A_210 : vector<16xf32>
        %add3A_796 = arith.addf %mul3A_790, %mul3A_795 : vector<16xf32>
        %add3A_797 = arith.constant 32 : i32
        %add3A_798 = vector.broadcast %add3A_797 : i32 to vector<16xi32>
        %add3A_799 = arith.addi %add3A_788, %add3A_798 : vector<16xi32>
        %gather3A_800 = tpu.vector_load_idx %arg14[%broadcast_in_dim3A_783, %add3A_799] : memref<800x128xf32, #tpu.memory_space<vmem>>[vector<16xi32>, vector<16xi32>], vector<16xf32>,
        %mul3A_801 = arith.mulf %gather3A_800, %gather3A_214 : vector<16xf32>
        %add3A_802 = arith.addf %add3A_796, %mul3A_801 : vector<16xf32>
        %add3A_803 = arith.constant 48 : i32
        %add3A_804 = vector.broadcast %add3A_803 : i32 to vector<16xi32>
        %add3A_805 = arith.addi %add3A_788, %add3A_804 : vector<16xi32>
        %gather3A_806 = tpu.vector_load_idx %arg14[%broadcast_in_dim3A_783, %add3A_805] : memref<800x128xf32, #tpu.memory_space<vmem>>[vector<16xi32>, vector<16xi32>], vector<16xf32>,
        %mul3A_807 = arith.mulf %gather3A_806, %gather3A_218 : vector<16xf32>
        %add3A_808 = arith.addf %add3A_802, %mul3A_807 : vector<16xf32>
        tpu.vector_store_idx %arg15[%broadcast_in_dim3A_783], %add3A_808 {add = true} : memref<800xf32, #tpu.memory_space<vmem>>[vector<16xi32>], vector<16xf32>,
        %add3A_809 = arith.constant 21 : i32
        %add3A_810 = arith.addi %mul3A_220, %add3A_809 : i32
        %broadcast_in_dim3A_811 = vector.broadcast %add3A_810 : i32 to vector<16xi32>
        %gather3A_812 = tpu.vector_load_idx %arg12[%broadcast_in_dim3A_811] : memref<800xi32, #tpu.memory_space<vmem>>[vector<16xi32>], vector<16xi32>,
        %mul3A_813 = arith.constant 64 : i32
        %mul3A_814 = vector.broadcast %mul3A_813 : i32 to vector<16xi32>
        %mul3A_815 = arith.muli %gather3A_812, %mul3A_814 : vector<16xi32>
        %add3A_816 = arith.addi %mul3A_815, %iota3A : vector<16xi32>
        %gather3A_817 = tpu.vector_load_idx %arg14[%broadcast_in_dim3A_811, %add3A_816] : memref<800x128xf32, #tpu.memory_space<vmem>>[vector<16xi32>, vector<16xi32>], vector<16xf32>,
        %mul3A_818 = arith.mulf %gather3A_817, %gather3A_206 : vector<16xf32>
        %add3A_819 = arith.constant 16 : i32
        %add3A_820 = vector.broadcast %add3A_819 : i32 to vector<16xi32>
        %add3A_821 = arith.addi %add3A_816, %add3A_820 : vector<16xi32>
        %gather3A_822 = tpu.vector_load_idx %arg14[%broadcast_in_dim3A_811, %add3A_821] : memref<800x128xf32, #tpu.memory_space<vmem>>[vector<16xi32>, vector<16xi32>], vector<16xf32>,
        %mul3A_823 = arith.mulf %gather3A_822, %gather3A_210 : vector<16xf32>
        %add3A_824 = arith.addf %mul3A_818, %mul3A_823 : vector<16xf32>
        %add3A_825 = arith.constant 32 : i32
        %add3A_826 = vector.broadcast %add3A_825 : i32 to vector<16xi32>
        %add3A_827 = arith.addi %add3A_816, %add3A_826 : vector<16xi32>
        %gather3A_828 = tpu.vector_load_idx %arg14[%broadcast_in_dim3A_811, %add3A_827] : memref<800x128xf32, #tpu.memory_space<vmem>>[vector<16xi32>, vector<16xi32>], vector<16xf32>,
        %mul3A_829 = arith.mulf %gather3A_828, %gather3A_214 : vector<16xf32>
        %add3A_830 = arith.addf %add3A_824, %mul3A_829 : vector<16xf32>
        %add3A_831 = arith.constant 48 : i32
        %add3A_832 = vector.broadcast %add3A_831 : i32 to vector<16xi32>
        %add3A_833 = arith.addi %add3A_816, %add3A_832 : vector<16xi32>
        %gather3A_834 = tpu.vector_load_idx %arg14[%broadcast_in_dim3A_811, %add3A_833] : memref<800x128xf32, #tpu.memory_space<vmem>>[vector<16xi32>, vector<16xi32>], vector<16xf32>,
        %mul3A_835 = arith.mulf %gather3A_834, %gather3A_218 : vector<16xf32>
        %add3A_836 = arith.addf %add3A_830, %mul3A_835 : vector<16xf32>
        tpu.vector_store_idx %arg15[%broadcast_in_dim3A_811], %add3A_836 {add = true} : memref<800xf32, #tpu.memory_space<vmem>>[vector<16xi32>], vector<16xf32>,
        %add3A_837 = arith.constant 22 : i32
        %add3A_838 = arith.addi %mul3A_220, %add3A_837 : i32
        %broadcast_in_dim3A_839 = vector.broadcast %add3A_838 : i32 to vector<16xi32>
        %gather3A_840 = tpu.vector_load_idx %arg12[%broadcast_in_dim3A_839] : memref<800xi32, #tpu.memory_space<vmem>>[vector<16xi32>], vector<16xi32>,
        %mul3A_841 = arith.constant 64 : i32
        %mul3A_842 = vector.broadcast %mul3A_841 : i32 to vector<16xi32>
        %mul3A_843 = arith.muli %gather3A_840, %mul3A_842 : vector<16xi32>
        %add3A_844 = arith.addi %mul3A_843, %iota3A : vector<16xi32>
        %gather3A_845 = tpu.vector_load_idx %arg14[%broadcast_in_dim3A_839, %add3A_844] : memref<800x128xf32, #tpu.memory_space<vmem>>[vector<16xi32>, vector<16xi32>], vector<16xf32>,
        %mul3A_846 = arith.mulf %gather3A_845, %gather3A_206 : vector<16xf32>
        %add3A_847 = arith.constant 16 : i32
        %add3A_848 = vector.broadcast %add3A_847 : i32 to vector<16xi32>
        %add3A_849 = arith.addi %add3A_844, %add3A_848 : vector<16xi32>
        %gather3A_850 = tpu.vector_load_idx %arg14[%broadcast_in_dim3A_839, %add3A_849] : memref<800x128xf32, #tpu.memory_space<vmem>>[vector<16xi32>, vector<16xi32>], vector<16xf32>,
        %mul3A_851 = arith.mulf %gather3A_850, %gather3A_210 : vector<16xf32>
        %add3A_852 = arith.addf %mul3A_846, %mul3A_851 : vector<16xf32>
        %add3A_853 = arith.constant 32 : i32
        %add3A_854 = vector.broadcast %add3A_853 : i32 to vector<16xi32>
        %add3A_855 = arith.addi %add3A_844, %add3A_854 : vector<16xi32>
        %gather3A_856 = tpu.vector_load_idx %arg14[%broadcast_in_dim3A_839, %add3A_855] : memref<800x128xf32, #tpu.memory_space<vmem>>[vector<16xi32>, vector<16xi32>], vector<16xf32>,
        %mul3A_857 = arith.mulf %gather3A_856, %gather3A_214 : vector<16xf32>
        %add3A_858 = arith.addf %add3A_852, %mul3A_857 : vector<16xf32>
        %add3A_859 = arith.constant 48 : i32
        %add3A_860 = vector.broadcast %add3A_859 : i32 to vector<16xi32>
        %add3A_861 = arith.addi %add3A_844, %add3A_860 : vector<16xi32>
        %gather3A_862 = tpu.vector_load_idx %arg14[%broadcast_in_dim3A_839, %add3A_861] : memref<800x128xf32, #tpu.memory_space<vmem>>[vector<16xi32>, vector<16xi32>], vector<16xf32>,
        %mul3A_863 = arith.mulf %gather3A_862, %gather3A_218 : vector<16xf32>
        %add3A_864 = arith.addf %add3A_858, %mul3A_863 : vector<16xf32>
        tpu.vector_store_idx %arg15[%broadcast_in_dim3A_839], %add3A_864 {add = true} : memref<800xf32, #tpu.memory_space<vmem>>[vector<16xi32>], vector<16xf32>,
        %add3A_865 = arith.constant 23 : i32
        %add3A_866 = arith.addi %mul3A_220, %add3A_865 : i32
        %broadcast_in_dim3A_867 = vector.broadcast %add3A_866 : i32 to vector<16xi32>
        %gather3A_868 = tpu.vector_load_idx %arg12[%broadcast_in_dim3A_867] : memref<800xi32, #tpu.memory_space<vmem>>[vector<16xi32>], vector<16xi32>,
        %mul3A_869 = arith.constant 64 : i32
        %mul3A_870 = vector.broadcast %mul3A_869 : i32 to vector<16xi32>
        %mul3A_871 = arith.muli %gather3A_868, %mul3A_870 : vector<16xi32>
        %add3A_872 = arith.addi %mul3A_871, %iota3A : vector<16xi32>
        %gather3A_873 = tpu.vector_load_idx %arg14[%broadcast_in_dim3A_867, %add3A_872] : memref<800x128xf32, #tpu.memory_space<vmem>>[vector<16xi32>, vector<16xi32>], vector<16xf32>,
        %mul3A_874 = arith.mulf %gather3A_873, %gather3A_206 : vector<16xf32>
        %add3A_875 = arith.constant 16 : i32
        %add3A_876 = vector.broadcast %add3A_875 : i32 to vector<16xi32>
        %add3A_877 = arith.addi %add3A_872, %add3A_876 : vector<16xi32>
        %gather3A_878 = tpu.vector_load_idx %arg14[%broadcast_in_dim3A_867, %add3A_877] : memref<800x128xf32, #tpu.memory_space<vmem>>[vector<16xi32>, vector<16xi32>], vector<16xf32>,
        %mul3A_879 = arith.mulf %gather3A_878, %gather3A_210 : vector<16xf32>
        %add3A_880 = arith.addf %mul3A_874, %mul3A_879 : vector<16xf32>
        %add3A_881 = arith.constant 32 : i32
        %add3A_882 = vector.broadcast %add3A_881 : i32 to vector<16xi32>
        %add3A_883 = arith.addi %add3A_872, %add3A_882 : vector<16xi32>
        %gather3A_884 = tpu.vector_load_idx %arg14[%broadcast_in_dim3A_867, %add3A_883] : memref<800x128xf32, #tpu.memory_space<vmem>>[vector<16xi32>, vector<16xi32>], vector<16xf32>,
        %mul3A_885 = arith.mulf %gather3A_884, %gather3A_214 : vector<16xf32>
        %add3A_886 = arith.addf %add3A_880, %mul3A_885 : vector<16xf32>
        %add3A_887 = arith.constant 48 : i32
        %add3A_888 = vector.broadcast %add3A_887 : i32 to vector<16xi32>
        %add3A_889 = arith.addi %add3A_872, %add3A_888 : vector<16xi32>
        %gather3A_890 = tpu.vector_load_idx %arg14[%broadcast_in_dim3A_867, %add3A_889] : memref<800x128xf32, #tpu.memory_space<vmem>>[vector<16xi32>, vector<16xi32>], vector<16xf32>,
        %mul3A_891 = arith.mulf %gather3A_890, %gather3A_218 : vector<16xf32>
        %add3A_892 = arith.addf %add3A_886, %mul3A_891 : vector<16xf32>
        tpu.vector_store_idx %arg15[%broadcast_in_dim3A_867], %add3A_892 {add = true} : memref<800xf32, #tpu.memory_space<vmem>>[vector<16xi32>], vector<16xf32>,
        %add3A_893 = arith.constant 24 : i32
        %add3A_894 = arith.addi %mul3A_220, %add3A_893 : i32
        %broadcast_in_dim3A_895 = vector.broadcast %add3A_894 : i32 to vector<16xi32>
        %gather3A_896 = tpu.vector_load_idx %arg12[%broadcast_in_dim3A_895] : memref<800xi32, #tpu.memory_space<vmem>>[vector<16xi32>], vector<16xi32>,
        %mul3A_897 = arith.constant 64 : i32
        %mul3A_898 = vector.broadcast %mul3A_897 : i32 to vector<16xi32>
        %mul3A_899 = arith.muli %gather3A_896, %mul3A_898 : vector<16xi32>
        %add3A_900 = arith.addi %mul3A_899, %iota3A : vector<16xi32>
        %gather3A_901 = tpu.vector_load_idx %arg14[%broadcast_in_dim3A_895, %add3A_900] : memref<800x128xf32, #tpu.memory_space<vmem>>[vector<16xi32>, vector<16xi32>], vector<16xf32>,
        %mul3A_902 = arith.mulf %gather3A_901, %gather3A_206 : vector<16xf32>
        %add3A_903 = arith.constant 16 : i32
        %add3A_904 = vector.broadcast %add3A_903 : i32 to vector<16xi32>
        %add3A_905 = arith.addi %add3A_900, %add3A_904 : vector<16xi32>
        %gather3A_906 = tpu.vector_load_idx %arg14[%broadcast_in_dim3A_895, %add3A_905] : memref<800x128xf32, #tpu.memory_space<vmem>>[vector<16xi32>, vector<16xi32>], vector<16xf32>,
        %mul3A_907 = arith.mulf %gather3A_906, %gather3A_210 : vector<16xf32>
        %add3A_908 = arith.addf %mul3A_902, %mul3A_907 : vector<16xf32>
        %add3A_909 = arith.constant 32 : i32
        %add3A_910 = vector.broadcast %add3A_909 : i32 to vector<16xi32>
        %add3A_911 = arith.addi %add3A_900, %add3A_910 : vector<16xi32>
        %gather3A_912 = tpu.vector_load_idx %arg14[%broadcast_in_dim3A_895, %add3A_911] : memref<800x128xf32, #tpu.memory_space<vmem>>[vector<16xi32>, vector<16xi32>], vector<16xf32>,
        %mul3A_913 = arith.mulf %gather3A_912, %gather3A_214 : vector<16xf32>
        %add3A_914 = arith.addf %add3A_908, %mul3A_913 : vector<16xf32>
        %add3A_915 = arith.constant 48 : i32
        %add3A_916 = vector.broadcast %add3A_915 : i32 to vector<16xi32>
        %add3A_917 = arith.addi %add3A_900, %add3A_916 : vector<16xi32>
        %gather3A_918 = tpu.vector_load_idx %arg14[%broadcast_in_dim3A_895, %add3A_917] : memref<800x128xf32, #tpu.memory_space<vmem>>[vector<16xi32>, vector<16xi32>], vector<16xf32>,
        %mul3A_919 = arith.mulf %gather3A_918, %gather3A_218 : vector<16xf32>
        %add3A_920 = arith.addf %add3A_914, %mul3A_919 : vector<16xf32>
        tpu.vector_store_idx %arg15[%broadcast_in_dim3A_895], %add3A_920 {add = true} : memref<800xf32, #tpu.memory_space<vmem>>[vector<16xi32>], vector<16xf32>,
        %scan3A_921 = arith.constant 0 : i32
        scf.yield %scan3A_921 : i32
      }
      %scan3A_194 = arith.constant 32 : i32
      "tpu.region"() ({
        %run_scoped3A = tpu.sem_alloc : memref<!tpu.dma_semaphore, #tpu.memory_space<semaphore_mem>>
        %dma_start3A_196 = tpu.memref_slice %arg8[%mul3A_16] : memref<409600xf32, #tpu.memory_space<hbm>> -> memref<800xf32, #tpu.memory_space<hbm>>
        %dma_start3A_197 = tpu.memref_slice %arg8[%mul3A_16] : memref<409600xf32, #tpu.memory_space<hbm>> -> memref<800xf32, #tpu.memory_space<hbm>>
        tpu.enqueue_dma source(%arg15 : memref<800xf32, #tpu.memory_space<vmem>>) target(%dma_start3A_197 : memref<800xf32, #tpu.memory_space<hbm>>) target_semaphore(%run_scoped3A : memref<!tpu.dma_semaphore, #tpu.memory_space<semaphore_mem>>)
        %dma_wait3A_198 = tpu.memref_slice %arg8[%mul3A_16] : memref<409600xf32, #tpu.memory_space<hbm>> -> memref<800xf32, #tpu.memory_space<hbm>>
        %dma_wait3A_199 = tpu.memref_slice %arg8[%mul3A_16] : memref<409600xf32, #tpu.memory_space<hbm>> -> memref<800xf32, #tpu.memory_space<hbm>>
        tpu.wait_dma2 semaphore(%run_scoped3A : memref<!tpu.dma_semaphore, #tpu.memory_space<semaphore_mem>>) src(%arg15 : memref<800xf32, #tpu.memory_space<vmem>>) dst(%dma_wait3A_199 : memref<800xf32, #tpu.memory_space<hbm>>)
        tpu.yield
      }) : () -> ()
      %scan3A_195 = arith.constant 0 : i32
      scf.yield %scan3A_195 : i32
    }
    %scan3A_9 = arith.constant 16 : i32
    return
  }
}

module attributes {stable_mosaic.version = 14 : i64} {
  func.func @_tc_loss_kernel(%arg0: memref<3200x128xf32, #tpu.memory_space<vmem>>, %arg1: memref<1x1xf32, #tpu.memory_space<smem>>) attributes {dimension_semantics = [], scalar_prefetch = 0 : i64, scratch_operands = 0 : i64, tpu.core_type = #tpu.core_type<tc>} {
    %get3A = arith.constant 0 : index
    %get3A_0 = arith.constant 0 : index
    %get3A_1 = vector.load %arg0[%get3A, %get3A_0] : memref<3200x128xf32, #tpu.memory_space<vmem>>, vector<3200x128xf32>
    %iota3A = tpu.iota {dimensions = array<i32: 0>} : vector<3200x128xi32>
    %mul3A = arith.constant 128 : i32
    %mul3A_2 = vector.broadcast %mul3A : i32 to vector<3200x128xi32>
    %mul3A_3 = arith.muli %iota3A, %mul3A_2 : vector<3200x128xi32>
    %iota3A_4 = tpu.iota {dimensions = array<i32: 1>} : vector<3200x128xi32>
    %add3A = arith.addi %mul3A_3, %iota3A_4 : vector<3200x128xi32>
    %jit3A = arith.constant 25 : i32
    %eq3A = arith.constant 0 : i32
    %eq3A_5 = arith.cmpi eq, %jit3A, %eq3A : i32
    %jit3A_6 = arith.constant 1 : i32
    %select_n3A = arith.select %eq3A_5, %jit3A_6, %jit3A : i32
    %rem3A = vector.broadcast %select_n3A : i32 to vector<3200x128xi32>
    %rem3A_7 = arith.remsi %add3A, %rem3A : vector<3200x128xi32>
    %ne3A = arith.constant 0 : i32
    %ne3A_8 = vector.broadcast %ne3A : i32 to vector<3200x128xi32>
    %ne3A_9 = arith.cmpi ne, %rem3A_7, %ne3A_8 : vector<3200x128xi32>
    %lt3A = arith.constant 0 : i32
    %lt3A_10 = vector.broadcast %lt3A : i32 to vector<3200x128xi32>
    %lt3A_11 = arith.cmpi slt, %rem3A_7, %lt3A_10 : vector<3200x128xi32>
    %lt3A_12 = arith.constant 0 : i32
    %lt3A_13 = arith.cmpi slt, %select_n3A, %lt3A_12 : i32
    %ne3A_14 = vector.broadcast %lt3A_13 : i1 to vector<3200x128xi1>
    %ne3A_15 = vector.broadcast %ne3A_14 : vector<3200x128xi1> to vector<3200x128xi1>
    %ne3A_16 = arith.xori %lt3A_11, %ne3A_15 : vector<3200x128xi1>
    %and3A = arith.andi %ne3A_16, %ne3A_9 : vector<3200x128xi1>
    %add3A_17 = vector.broadcast %select_n3A : i32 to vector<3200x128xi32>
    %add3A_18 = arith.addi %rem3A_7, %add3A_17 : vector<3200x128xi32>
    %select_n3A_19 = arith.select %and3A, %add3A_18, %rem3A_7 : vector<3200x128xi1>, vector<3200x128xi32>
    %lt3A_20 = arith.constant 5 : i32
    %lt3A_21 = vector.broadcast %lt3A_20 : i32 to vector<3200x128xi32>
    %lt3A_22 = arith.cmpi slt, %select_n3A_19, %lt3A_21 : vector<3200x128xi32>
    %jit3A_23 = arith.constant -1.000000e+01 : f32
    %jit3A_24 = arith.constant 1.000000e+01 : f32
    %max3A = vector.broadcast %jit3A_23 : f32 to vector<3200x128xf32>
    %max3A_25 = arith.maximumf %max3A, %get3A_1 : vector<3200x128xf32>
    %min3A = vector.broadcast %jit3A_24 : f32 to vector<3200x128xf32>
    %min3A_26 = arith.minimumf %min3A, %max3A_25 : vector<3200x128xf32>
    %neg3A = arith.constant 0.000000e+00 : f32
    %neg3A_27 = vector.broadcast %neg3A : f32 to vector<3200x128xf32>
    %neg3A_28 = arith.subf %neg3A_27, %min3A_26 : vector<3200x128xf32>
    %select_n3A_29 = arith.select %lt3A_22, %neg3A_28, %min3A_26 : vector<3200x128xi1>, vector<3200x128xf32>
    %exp3A = math.exp %select_n3A_29 : vector<3200x128xf32>
    %log1p3A = math.log1p %exp3A : vector<3200x128xf32>
    %reduce_sum3A = vector.shape_cast %log1p3A : vector<3200x128xf32> to vector<1x3200x128xf32>
    %reduce_sum3A_30 = arith.constant dense<0.000000e+00> : vector<1xf32>
    %reduce_sum3A_31 = vector.multi_reduction <add>, %reduce_sum3A, %reduce_sum3A_30 [1, 2] : vector<1x3200x128xf32> to vector<1xf32>
    %reduce_sum3A_32 = vector.shape_cast %reduce_sum3A_31 : vector<1xf32> to vector<1x1x1xf32>
    %reduce_sum3A_33 = vector.extract %reduce_sum3A_32[0, 0, 0] : f32 from vector<1x1x1xf32>
    %mul3A_34 = arith.constant 6.10351563E-5 : f32
    %mul3A_35 = arith.mulf %reduce_sum3A_33, %mul3A_34 : f32
    %swap3A = arith.constant 0 : index
    %swap3A_36 = arith.constant 0 : index
    %swap3A_37 = memref.load %arg1[%swap3A, %swap3A_36] : memref<1x1xf32, #tpu.memory_space<smem>>
    memref.store %mul3A_35, %arg1[%swap3A, %swap3A_36] : memref<1x1xf32, #tpu.memory_space<smem>>
    return
  }
}

</mosaic_0001>

<sc_bundles>
// kernel: kernel.4.cloned.1.call-start
scs
__scs_entry_jumppad:
0x0: {  	(pc) =	sbr.rel $0x88, $3  }
0x1: {  	(tag) =	ssettag $0x0;
	lr =	simm.s32 $0x1  }
0x2: {  	[smem:$0x3F9C] =	sst lr;
	_ =	strace $0xD0000000  }
0x3: {  	_ = 	snop  }
0x4: {  	_ = 	snop  }
0x5: {  	_ = 	snop  }
0x6: {  	_ = 	snop  }
0x7: {  	_ = 	snop  }
__scs_overlays_trampoline_lowered:
0x8: {  	[smem:$0x3FAB] =	sst s0  }
0x9: {  	[smem:$0x3FAC] =	sst s1  }
0xa: {  	[smem:$0x3FAD] =	sst s2  }
0xb: {  	[smem:$0x3FAE] =	sst s3  }
0xc: {  	[smem:$0x3FAF] =	sst s4  }
0xd: {  	[smem:$0x3FB0] =	sst s5  }
0xe: {  	[smem:$0x3FB1] =	sst s6  }
0xf: {  	[smem:$0x3FB2] =	sst s7  }
0x10: {  	[smem:$0x3FB3] =	sst s8  }
0x11: {  	[smem:$0x3FB4] =	sst s9;
	s0 =	simm.s32 @!p0 $0x0  }
0x12: {  	s1 =	sld [smem:$0x3F9A];
	s0 =	simm.s32 @p0 $0x1  }
0x13: {  	[smem:$0x3FB5] =	sst s0;
	s0 =	simm.s32 @!p1 $0x0  }
0x14: {  	s2 =	sld [smem:$0x3F99];
	s0 =	simm.s32 @p1 $0x1  }
0x15: {  	[smem:$0x3FB6] =	sst s0;
	s0 =	simm.s32 @!p2 $0x0  }
0x16: {  	s3 =	sld [smem:$0x3FDB];
	s0 =	simm.s32 @p2 $0x1  }
0x17: {  	s4 =	simm.s32 $0x1BF5;
	[smem:$0x3FB8] =	sst s0  }
0x18: {  	s0 =	sld [smem:$0x3F9B];
	_ =	swait.ge [sflag:s4], $0x0  }
0x19: {  	s7 =	sld [smem:$0x3F9C]  }
0x1a: {  	s8 =	sadd.s32 $0xFFFFE003, lr  }
0x1b: {  	s9 =	sadd.s32 $0xFFFFFEF7, lr;
	s5 =	simm.s32 $0xFFFFFFFF;
	p2 =	slt.u32 s8, $0xFFFFF086  }
0x1c: {  	p1 =	slt.u32 s9, $0xF7A;
	s5 =	simm.s32 @!p2 $0x0  }
0x1d: {  	s5 =	simm.s32 @p1 $0x1;
	p0 =	seq.s32 s7, s2  }
0x1e: {  	s7 =	smul.u32 @!p0 $0xF7A, s2;
	p2 =	seq.s32 @!p0 s5, $0x0  }
0x1f: {  	s9 =	smul.u32 $0xF7A, s1;
	s8 =	simm.s32 @!p0 $0x1BF5;
	p2 =	por !p2, p0  }
0x20: {  	[sflag:s8] =	ssyncset.s32 @!p0 $0xFFFFF086;
	s6 =	sadd.s32 @!p0 s3, s7;
	s7 =	simm.s32 @!p0 $0x108  }
0x21: {  	s3 =	sadd.s32 s3, s9;
	s6 =	sadd.s32 @!p0 $0x88, s6;
	s7 =	simm.s32 @p2 $0x1082  }
0x22: {  	[simem:s7], [sflag:s8] =	dma.local @!p0 [hbm:s6], $0xF7A  }
0x23: {  	s9 =	sor.u32 $0xD0000000, s2;
	s6 =	simm.s32 $0x108;
	_ =	swait.ge @!p0 [sflag:s8], $0x0  }
0x24: {  	s3 =	sadd.s32 $0x88, s3;
	s6 =	simm.s32 @!p1 $0x1082;
	[sflag:s4] =	ssyncset.s32 $0xFFFFF086  }
0x25: {  	[simem:s6], [sflag:s4] =	dma.local [hbm:s3], $0xF7A  }
0x26: {  	[smem:$0x3F9C] =	sst s1;
	(tag) =	ssettag s2;
	_ =	strace s9  }
0x27: {  	s1 =	sld [smem:$0x3FAC]  }
0x28: {  	s2 =	sld [smem:$0x3FAD]  }
0x29: {  	s4 =	sld [smem:$0x3FAF]  }
0x2a: {  	p0 =	seq.s32 s5, $0x0;
	s5 =	sld [smem:$0x3FB0]  }
0x2b: {  	s6 =	sld [smem:$0x3FB1]  }
0x2c: {  	s7 =	sld [smem:$0x3FB2]  }
0x2d: {  	s3 =	simm.s32 $0x108;
	s8 =	sld [smem:$0x3FB3]  }
0x2e: {  	s3 =	simm.s32 @!p0 $0x1082;
	s9 =	sld [smem:$0x3FB4]  }
0x2f: {  	lr =	sadd.s32 s0, s3;
	s0 =	sld [smem:$0x3FAB]  }
0x30: {  	s3 =	sld [smem:$0x3FAE]  }
0x31: {  	[smem:$0x3FB7] =	sst s10  }
0x32: {  	s10 =	sld [smem:$0x3FB5];
	_ =	sdelay $0x3  }
0x33: {  	p0 =	seq.s32 s10, $0x1;
	s10 =	sld [smem:$0x3FB7];
	_ =	sdelay $0x3  }
0x34: {  	[smem:$0x3FB7] =	sst s10  }
0x35: {  	s10 =	sld [smem:$0x3FB6];
	_ =	sdelay $0x3  }
0x36: {  	p1 =	seq.s32 s10, $0x1;
	s10 =	sld [smem:$0x3FB7];
	_ =	sdelay $0x3  }
0x37: {  	[smem:$0x3FB7] =	sst s10  }
0x38: {  	s10 =	sld [smem:$0x3FB8]  }
0x39: {  	_ = 	snop;
	(pc) =	sbr.ind lr, $3  }
0x3a: {  	_ = 	snop  }
0x3b: {  	_ = 	snop  }
0x3c: {  	p2 =	seq.s32 s10, $0x1;
	s10 =	sld [smem:$0x3FB7]  }
0x3d: {  	_ =	shalt  }
0x3e: {  	_ =	shalt  }
0x3f: {  	_ =	shalt  }
0x40: {  	_ =	shalt  }
0x41: {  	_ =	shalt  }
0x42: {  	_ =	shalt  }
0x43: {  	_ =	shalt  }
0x44: {  	_ =	shalt  }
0x45: {  	_ =	shalt  }
0x46: {  	_ =	shalt  }
0x47: {  	_ =	shalt  }
0x48: {  	_ =	shalt  }
0x49: {  	_ =	shalt  }
0x4a: {  	_ =	shalt  }
0x4b: {  	_ =	shalt  }
0x4c: {  	_ =	shalt  }
0x4d: {  	_ =	shalt  }
0x4e: {  	_ =	shalt  }
0x4f: {  	_ =	shalt  }
0x50: {  	_ =	shalt  }
0x51: {  	_ =	shalt  }
0x52: {  	_ =	shalt  }
0x53: {  	_ =	shalt  }
0x54: {  	_ =	shalt  }
0x55: {  	_ =	shalt  }
0x56: {  	_ =	shalt  }
0x57: {  	_ =	shalt  }
0x58: {  	_ =	shalt  }
0x59: {  	_ =	shalt  }
0x5a: {  	_ =	shalt  }
0x5b: {  	_ =	shalt  }
0x5c: {  	_ =	shalt  }
0x5d: {  	_ =	shalt  }
0x5e: {  	_ =	shalt  }
0x5f: {  	_ =	shalt  }
0x60: {  	_ =	shalt  }
0x61: {  	_ =	shalt  }
0x62: {  	_ =	shalt  }
0x63: {  	_ =	shalt  }
0x64: {  	_ =	shalt  }
0x65: {  	_ =	shalt  }
0x66: {  	_ =	shalt  }
0x67: {  	_ =	shalt  }
0x68: {  	_ =	shalt  }
0x69: {  	_ =	shalt  }
0x6a: {  	_ =	shalt  }
0x6b: {  	_ =	shalt  }
0x6c: {  	_ =	shalt  }
0x6d: {  	_ =	shalt  }
0x6e: {  	_ =	shalt  }
0x6f: {  	_ =	shalt  }
0x70: {  	_ =	shalt  }
0x71: {  	_ =	shalt  }
0x72: {  	_ =	shalt  }
0x73: {  	_ =	shalt  }
0x74: {  	_ =	shalt  }
0x75: {  	_ =	shalt  }
0x76: {  	_ =	shalt  }
0x77: {  	_ =	shalt  }
0x78: {  	_ =	shalt  }
0x79: {  	_ =	shalt  }
0x7a: {  	_ =	shalt  }
0x7b: {  	_ =	shalt  }
0x7c: {  	_ =	shalt  }
0x7d: {  	_ =	shalt  }
0x7e: {  	_ =	shalt  }
0x7f: {  	_ =	shalt  }
0x80: {  	_ =	shalt  }
0x81: {  	_ =	shalt  }
0x82: {  	_ =	shalt  }
0x83: {  	_ =	shalt  }
0x84: {  	_ =	shalt  }
0x85: {  	_ =	shalt  }
0x86: {  	_ =	shalt  }
0x87: {  	_ =	shalt  }
.Lfunc_end0:
.L_simem_size_0:
called_computation_lowered:
.L_overlay_start_0:
0x88: {  	s2 =	sld [smem:$0x3FD9]  }
0x89: {  	s3 =	sld [smem:$0x3FFE];
	_ =	sdelay $0x1  }
0x8a: {  	s1 =	srdreg.scid  }
0x8b: {  	s0 =	sand.u32 $0x1, s1  }
0x8c: {  	s16 =	sshll.u32 s0, $0xA;
	s2 =	sadd.s32 s3, s2  }
0x8d: {  	s2 =	sadd.s32 s2, s16  }
0x8e: {  	[smem:$0x3FC3] =	sst s2  }
0x8f: {  	_ = 	snop  }
0x90: {  	(tm) =	ssettm $0x1  }
0x91: {  	s17 =	sld [smem:$0x3FFB];
	_ =	sdelay $0x3  }
0x92: {  	_ =	strace s17  }
0x93: {  	s2 =	sld [smem:$0x3FFC];
	_ =	sdelay $0x3  }
0x94: {  	_ =	strace s2  }
0x95: {  	s2 =	sld [smem:$0x3FFD];
	_ =	sdelay $0x3  }
0x96: {  	_ =	strace s2  }
0x97: {  	_ =	strace $0x8FFFFFFF  }
0x98: {  	s18 =	sld [smem:$0x3FDB];
	_ =	sdelay $0x1  }
0x99: {  	s19 =	simm.s32 $_scs_section_size  }
0x9a: {  	s4 =	simm.s32 $_size__tile_overlayer_lowered;
	s5 =	simm.s32 $_tile_overlayer_lowered  }
0x9b: {  	s22 =	simm.s32 $0x1BFF;
	s21 =	sshll.u32 s5, $0x1;
	s2 =	sadd.s32 s19, s18  }
0x9c: {  	s6 =	simm.s32 $0x0;
	s20 =	sshll.u32 s4, $0x1;
	s4 =	sadd.s32 s21, s2  }
0x9d: {  	[timem:s6], [sflag:s22] =	dma.local [hbm:s4], s20  }
0x9e: {  	_ =	swait.ge [sflag:s22], s20  }
0x9f: {  	s3 =	ssub.s32 $0x0, s20;
	[sflag:s22] =	ssyncset.done $0x0  }
0xa0: {  	[sflag:s22] =	ssyncadd.s32 s3;
	_ =	sdelay $0x1  }
0xa1: {  	s23 =	simm.s32 $0x1B8B  }
0xa2: {  	_ =	swait.ge [sflag:s23], $0x1  }
0xa3: {  	[sflag:s23] =	ssyncset.done $0x0  }
0xa4: {  	s25 =	simm.s32 $0x1B8E;
	s24 =	sld [smem:$0x3FFE];
	[sflag:s23] =	ssyncadd.s32 $0xFFFFFFFF  }
0xa5: {  	s26 =	simm.s32 $execute0_lowered;
	[smem:$0x3FD2] =	sst s25  }
0xa6: {  	s4 =	sshll.u32 s26, $0x1;
	_ =	strace $0x80000046;
	[dreg:$0x1] =	wrdreg $0xFFFFFFFF  }
0xa7: {  	s28 =	simm.s32 $_size_execute0_lowered;
	s2 =	sadd.s32 s2, s4;
	[dreg:$0x0] =	wrdreg $0x0  }
0xa8: {  	s4 =	sshll.u32 s28, $0x1;
	[dreg:$0x2] =	wrdreg s2  }
0xa9: {  	[dreg:$0x3] =	wrdreg s4  }
0xaa: {  	[dreg:$0x4] =	wrdreg $0xC0  }
0xab: {  	_ =	task [dreg:s6], $0x5FFFF  }
0xac: {  	[dreg:$0x1] =	wrdreg $0xFFFFFFFF  }
0xad: {  	[dreg:$0x0] =	wrdreg $0x60  }
0xae: {  	[dreg:$0x2] =	wrdreg s24  }
0xaf: {  	[dreg:$0x3] =	wrdreg $0x9  }
0xb0: {  	_ =	task.clear_ibuf [dreg:s6], $0x4FFFF;
	_ =	strace $0x90000046  }
0xb1: {  	s29 =	simm.s32 $0x9;
	_ =	strace $0x80000048  }
0xb2: {  	_ =	swait.ge [sflag:s29], $0x1  }
0xb3: {  	[sflag:s29] =	ssyncadd.s32 $0xFFFFFFFF  }
0xb4: {  	_ =	strace $0x90000048  }
0xb5: {  	_ =	sfence  }
0xb6: {  	s30 =	sld [smem:$0x0];
	_ =	sdelay $0x2  }
0xb7: {  	s31 =	sshll.u32 s1, $0xD;
	s1 =	sshrl.u32 s1, $0x2  }
0xb8: {  	s3 =	sand.u32 $0x4000, s31;
	s1 =	sadd.s32 s1, s30  }
0xb9: {  	s0 =	sor.u32 s3, s0;
	s1 =	sshll.u32 s1, $0x11  }
0xba: {  	s0 =	sor.u32 s1, s0  }
0xbb: {  	s0 =	sadd.s32 $0x8F2B, s0  }
0xbc: {  	[sflag:s0] =	ssyncadd.remote.s32 $0x1  }
0xbd: {  	_ =	sfence.sel $0xFFFF  }
0xbe: {  	[dreg:$0x0] =	wrdreg $0xFFFFFFFF;
	(pc) =	sbr.abs _section_cstart, $3  }
0xbf: {  	[dreg:$0x1] =	wrdreg $0xFFFFFFFF  }
0xc0: {  	_ =	task.clear_ibuf [dreg:s6], $0x2FFFF;
	_ =	strace $0x9FFFFFFF  }
0xc1: {  	(tm) =	ssettm $0x7FFFFFFF  }
tec
execute0_lowered:
.L_overlay_start_1:
0x0: {  	(tag) =	ssettag $0x1  }
0x1: {  	s0 =	rddreg [dreg:$0x0];
	s1 =	simm.s32 $0x0  }
0x2: {  	s28 =	srdreg.scid;
	s9 =	stileid.u32;
	s12 =	simm.s32 $0x2  }
0x3: {  	s13 =	simm.s32 $0x80;
	s14 =	simm.s32 $0x400;
	s15 =	simm.s32 $0x480  }
0x4: {  	s17 =	simm.s32 $0x800;
	s18 =	simm.s32 $0x50;
	s19 =	simm.s32 $0x1800  }
0x5: {  	s30 =	simm.s32 $0xE000;
	s31 =	simm.s32 $0x260;
	s16 =	simm.s32 $0x15800  }
0x6: {  	s20 =	simm.s32 $0x350;
	s21 =	simm.s32 $0x18000;
	s22 =	simm.s32 $0x1  }
0x7: {  	s23 =	simm.s32 $0x1A800;
	s25 =	simm.s32 $0x0;
	[smem:$0x7FF] =	sst s1  }
0x8: {  	s2 =	sadd.s32 $0x1200, s0;
	s3 =	sadd.s32 $0xE200, s0;
	s4 =	sadd.s32 $0xA00, s0  }
0x9: {  	s6 =	sadd.s32 $0x1A00, s0;
	s7 =	sadd.s32 $0xF5CE00, s0;
	s1 =	sand.u32 $0x1, s28  }
0xa: {  	s8 =	sadd.s32 $0x16FE000, s0;
	s11 =	sshll.u32 s9, $0xA;
	s5 =	ssub.s32 $0x2, s1  }
0xb: {  	s9 =	sadd.s32 $0x1AA00, s0;
	s1 =	sshll.u32 s1, $0x9;
	s10 =	sshrl.u32 s5, $0x1  }
0xc: {  	_ =	strace $0x80000047;
	s29 =	ssub.s32 s5, s10;
	s10 =	sor.u32 s1, s11  }
0xd: {  	v0 =	vimm.f32 $0.0e+00;
	v1 =	vlaneseq.u32;
	s5 =	simm.s32 $0x2B0;
	s11 =	simm.s32 $0x13000;
	s0 =	smax.u32 s29, $0x1  }
0xe: {  	v2 =	vor.u32 $0x10, v1;
	v3 =	vor.u32 $0x20, v1;
	v4 =	vor.u32 $0x30, v1;
	s1 =	simm.s32 $0x300;
	[dreg:$0x2] =	wrdreg s0;
	s0 =	simm.s32 $0x10800  }
.LBB2_1:
0xf: {  	[dreg:$0x3] =	wrdreg s25;
	s24 =	simm.s32 $0x0  }
.LBB2_2:
0x10: {  	s25 =	sshll.u32 s24, $0x5  }
0x11: {  	s25 =	sadd.s32 s10, s25  }
0x12: {  	s28 =	sshrl.u32 s25, $0x3  }
0x13: {  	s26 =	smul.u32 $0x19, s25;
	s25 =	simm.s32 $0x0;
	s29 =	sadd.s32 s4, s28  }
0x14: {  	[tilespmem:s25], [sflag:$0x2] =	stream.linear.gather [hbm4b:s29+s25], $0x20, $0x38;
	[tilespmem:$0x1AB80] =	vst v63  }
0x15: {  	_ =	swait.ge [sflag:s12], $0x20  }
0x16: {  	s26 =	sshrl.u32 s26, $0x3;
	[sflag:s12] =	ssyncset.done $0x0  }
0x17: {  	s29 =	sadd.s32 s6, s26;
	[sflag:s12] =	ssyncadd.s32 $0xFFFFFFE0  }
0x18: {  	[tilespmem:s13], [sflag:$0x2] =	stream.linear.gather [hbm4b:s29+s25], $0x320, $0x38;
	[tilespmem:$0x1AB80] =	vst v63  }
0x19: {  	_ =	swait.ge [sflag:s12], $0x320  }
0x1a: {  	[sflag:s12] =	ssyncset.done $0x0  }
0x1b: {  	s28 =	sadd.s32 s2, s28;
	[sflag:s12] =	ssyncadd.s32 $0xFFFFFCE0  }
0x1c: {  	[tilespmem:s14], [sflag:$0x2] =	stream.linear.gather [hbm4b:s28+s25], $0x20, $0x38;
	[tilespmem:$0x1AB80] =	vst v63  }
0x1d: {  	_ =	swait.ge [sflag:s12], $0x20  }
0x1e: {  	[sflag:s12] =	ssyncset.done $0x0  }
0x1f: {  	s28 =	sadd.s32 s3, s26;
	[sflag:s12] =	ssyncadd.s32 $0xFFFFFFE0  }
0x20: {  	[tilespmem:s15], [sflag:$0x2] =	stream.linear.gather [hbm4b:s28+s25], $0x320, $0x38;
	[tilespmem:$0x1AB80] =	vst v63  }
0x21: {  	_ =	swait.ge [sflag:s12], $0x320  }
0x22: {  	[sflag:s12] =	ssyncset.done $0x0  }
0x23: {  	s28 =	simm.s32 $0x20;
	[sflag:s12] =	ssyncadd.s32 $0xFFFFFCE0  }
0x24: {  	[tilespmem:s17], [sflag:$0x1] =	stream.indirect.gather [hbm4b:s7+s28], $0x80, s25, s28, $0xb8;
	[tilespmem:$0x1AB80] =	vst v63  }
0x25: {  	_ = 	snop  }
0x26: {  	[tilespmem:s19], [sflag:$0x1] =	stream.indirect.gather [hbm4b:s8+s18], $0x80, s13, s18, $0xb8;
	[tilespmem:$0x1AB80] =	vst v63  }
0x27: {  	s29 =	simm.s32 $0x4000;
	s28 =	simm.s32 $0xD0  }
0x28: {  	[tilespmem:s29], [sflag:$0x1] =	stream.indirect.gather [hbm4b:s8+s18], $0x80, s28, s18, $0xb8;
	[tilespmem:$0x1AB80] =	vst v63  }
0x29: {  	s28 =	simm.s32 $0x120;
	s29 =	simm.s32 $0x6800  }
0x2a: {  	[tilespmem:s29], [sflag:$0x1] =	stream.indirect.gather [hbm4b:s8+s18], $0x80, s28, s18, $0xb8;
	[tilespmem:$0x1AB80] =	vst v63  }
0x2b: {  	s28 =	simm.s32 $0x170;
	s29 =	simm.s32 $0x9000  }
0x2c: {  	[tilespmem:s29], [sflag:$0x1] =	stream.indirect.gather [hbm4b:s8+s18], $0x80, s28, s18, $0xb8;
	[tilespmem:$0x1AB80] =	vst v63  }
0x2d: {  	s28 =	simm.s32 $0x1C0;
	s29 =	simm.s32 $0xB800  }
0x2e: {  	[tilespmem:s29], [sflag:$0x1] =	stream.indirect.gather [hbm4b:s8+s18], $0x80, s28, s18, $0xb8;
	[tilespmem:$0x1AB80] =	vst v63  }
0x2f: {  	s28 =	simm.s32 $0x210  }
0x30: {  	[tilespmem:s30], [sflag:$0x1] =	stream.indirect.gather [hbm4b:s8+s18], $0x80, s28, s18, $0xb8;
	[tilespmem:$0x1AB80] =	vst v63  }
0x31: {  	_ = 	snop  }
0x32: {  	[tilespmem:s0], [sflag:$0x1] =	stream.indirect.gather [hbm4b:s8+s18], $0x80, s31, s18, $0xb8;
	[tilespmem:$0x1AB80] =	vst v63  }
0x33: {  	_ = 	snop  }
0x34: {  	[tilespmem:s11], [sflag:$0x1] =	stream.indirect.gather [hbm4b:s8+s18], $0x80, s5, s18, $0xb8;
	[tilespmem:$0x1AB80] =	vst v63  }
0x35: {  	_ = 	snop  }
0x36: {  	[tilespmem:s16], [sflag:$0x1] =	stream.indirect.gather [hbm4b:s8+s18], $0x80, s1, s18, $0xb8;
	[tilespmem:$0x1AB80] =	vst v63  }
0x37: {  	_ = 	snop  }
0x38: {  	[tilespmem:s21], [sflag:$0x1] =	stream.indirect.gather [hbm4b:s8+s18], $0x80, s20, s18, $0xb8;
	[tilespmem:$0x1AB80] =	vst v63  }
0x39: {  	_ =	swait.ge [sflag:s22], $0x1000  }
0x3a: {  	[sflag:s22] =	ssyncset.done $0x0  }
0x3b: {  	[sflag:s22] =	ssyncadd.s32 $0xFFFFF000  }
0x3c: {  	_ =	swait.ge [sflag:s22], $0x2800  }
0x3d: {  	[sflag:s22] =	ssyncset.done $0x0  }
0x3e: {  	[sflag:s22] =	ssyncadd.s32 $0xFFFFD800  }
0x3f: {  	_ =	swait.ge [sflag:s22], $0x2800  }
0x40: {  	[sflag:s22] =	ssyncset.done $0x0  }
0x41: {  	[sflag:s22] =	ssyncadd.s32 $0xFFFFD800  }
0x42: {  	_ =	swait.ge [sflag:s22], $0x2800  }
0x43: {  	[sflag:s22] =	ssyncset.done $0x0  }
0x44: {  	[sflag:s22] =	ssyncadd.s32 $0xFFFFD800  }
0x45: {  	_ =	swait.ge [sflag:s22], $0x2800  }
0x46: {  	[sflag:s22] =	ssyncset.done $0x0  }
0x47: {  	[sflag:s22] =	ssyncadd.s32 $0xFFFFD800  }
0x48: {  	_ =	swait.ge [sflag:s22], $0x2800  }
0x49: {  	[sflag:s22] =	ssyncset.done $0x0  }
0x4a: {  	[sflag:s22] =	ssyncadd.s32 $0xFFFFD800  }
0x4b: {  	_ =	swait.ge [sflag:s22], $0x2800  }
0x4c: {  	[sflag:s22] =	ssyncset.done $0x0  }
0x4d: {  	[sflag:s22] =	ssyncadd.s32 $0xFFFFD800  }
0x4e: {  	_ =	swait.ge [sflag:s22], $0x2800  }
0x4f: {  	[sflag:s22] =	ssyncset.done $0x0  }
0x50: {  	[sflag:s22] =	ssyncadd.s32 $0xFFFFD800  }
0x51: {  	_ =	swait.ge [sflag:s22], $0x2800  }
0x52: {  	[sflag:s22] =	ssyncset.done $0x0  }
0x53: {  	[sflag:s22] =	ssyncadd.s32 $0xFFFFD800  }
0x54: {  	_ =	swait.ge [sflag:s22], $0x2800  }
0x55: {  	[sflag:s22] =	ssyncset.done $0x0  }
0x56: {  	[sflag:s22] =	ssyncadd.s32 $0xFFFFD800  }
0x57: {  	_ =	swait.ge [sflag:s22], $0x2800  }
0x58: {  	[sflag:s22] =	ssyncset.done $0x0  }
0x59: {  	s28 =	simm.s32 $0x0;
	[sflag:s22] =	ssyncadd.s32 $0xFFFFD800  }
.LBB2_3:
0x5a: {  	p0 =	sne.s32 s28, $0xC40  }
.Ltmp0:
0x5b: {  	_ = 	snop;
	(pc) =	sbr.rel @p0 .LBB2_3-.Ltmp0, $3  }
0x5c: {  	_ =	sdelay $0x1  }
0x5d: {  	s29 =	sshra.s32 s28, $0x2  }
0x5e: {  	s28 =	sadd.s32 $0x40, s28;
	[tilespmem:s29+$0x1A800] =	vst v0  }
0x5f: {  	s28 =	simm.s32 $0x18  }
.LBB2_5:
0x60: {  	v5 =	vmov s25  }
0x61: {  	s29 =	sadd.s32 $0xFFFFFFE8, s28  }
0x62: {  	v9 =	vmov s29;
	_ =	sdelay $0x2  }
0x63: {  	v6 =	vld.idx.msk [tilespmem:v5+s14+$0x0], $0xffff;
	_ =	sdelay $0x1  }
0x64: {  	v7 =	vld.idx.msk [tilespmem:v9+s15+$0x0], $0xffff;
	_ =	sdelay $0x2  }
0x65: {  	v13 =	vshll.u32 v9, $0x7;
	v6 =	vshll.u32 v6, $0x6  }
0x66: {  	v5 =	vshll.u32 v5, $0x7;
	v8 =	vor.u32 v1, v6;
	v10 =	vand.u32 $0xFFFFFF80, v6  }
0x67: {  	v11 =	vor.u32 v2, v6;
	v7 =	vshll.u32 v7, $0x6;
	v8 =	vand.u32 $0x4F, v8  }
0x68: {  	v10 =	vadd.s32 v5, v10;
	v5 =	vand.u32 $0x5F, v11;
	v12 =	vand.u32 $0xFFFFFF80, v7  }
0x69: {  	v8 =	vor.u32 v8, v10;
	v11 =	vor.u32 v5, v10;
	v5 =	vor.u32 v1, v7  }
0x6a: {  	v32 =	vor.u32 v2, v7;
	v12 =	vadd.s32 v13, v12;
	v5 =	vand.u32 $0x4F, v5  }
0x6b: {  	v14 =	vor.u32 v3, v6;
	v15 =	vor.u32 v5, v12;
	v5 =	vand.u32 $0x5F, v32  }
0x6c: {  	v33 =	vand.u32 $0x6F, v14;
	v34 =	vor.u32 v5, v12;
	v5 =	vor.u32 v3, v7  }
0x6d: {  	v6 =	vor.u32 v4, v6;
	v13 =	vor.u32 v33, v10;
	v16 =	vand.u32 $0x6F, v5  }
0x6e: {  	v6 =	vand.u32 $0x7F, v6;
	v7 =	vor.u32 v4, v7;
	v5 =	vld.idx.msk [tilespmem:v8+s17+$0x0], $0xffff;
	v35 =	vor.u32 v16, v12  }
0x6f: {  	v10 =	vor.u32 v6, v10;
	v7 =	vand.u32 $0x7F, v7;
	v6 =	vld.idx.msk [tilespmem:v11+s17+$0x0], $0xffff  }
0x70: {  	v12 =	vor.u32 v7, v12;
	v36 =	vld.idx.msk [tilespmem:v15+s19+$0x0], $0xffff  }
0x71: {  	v14 =	vld.idx.msk [tilespmem:v34+s19+$0x0], $0xffff  }
0x72: {  	v7 =	vld.idx.msk [tilespmem:v13+s17+$0x0], $0xffff  }
0x73: {  	v37 =	vld.idx.msk [tilespmem:v35+s19+$0x0], $0xffff  }
0x74: {  	v8 =	vld.idx.msk [tilespmem:v10+s17+$0x0], $0xffff  }
0x75: {  	v38 =	vld.idx.msk [tilespmem:v12+s19+$0x0], $0xffff  }
0x76: {  	v11 =	vmul.f32 v36, v5;
	v39 =	vmul.f32 v14, v6;
	_ =	sdelay $0x1  }
0x77: {  	v11 =	vadd.f32 v39, v11;
	v40 =	vmul.f32 v37, v7  }
0x78: {  	s29 =	sadd.s32 $0xFFFFFFE9, s28  }
0x79: {  	v41 =	vmov s29;
	v10 =	vmul.f32 v38, v8;
	v11 =	vadd.f32 v40, v11;
	_ =	sdelay $0x1  }
0x7a: {  	v10 =	vadd.f32 v10, v11;
	_ =	sdelay $0x1  }
0x7b: {  	[tilespmem:v9+s23+$0x0] =	vst.idx.add.f32.msk $0xffff, v10  }
0x7c: {  	v9 =	vld.idx.msk [tilespmem:v41+s15+$0x0], $0xffff;
	_ =	sdelay $0x4  }
0x7d: {  	v9 =	vshll.u32 v9, $0x6  }
0x7e: {  	v44 =	vshll.u32 v41, $0x7;
	v42 =	vor.u32 v1, v9;
	v43 =	vand.u32 $0xFFFFFF80, v9  }
0x7f: {  	v45 =	vor.u32 v2, v9;
	v10 =	vand.u32 $0x4F, v42;
	v11 =	vadd.s32 v44, v43  }
0x80: {  	v13 =	vand.u32 $0x5F, v45;
	v10 =	vor.u32 v10, v11  }
0x81: {  	v46 =	vor.u32 v3, v9;
	v13 =	vor.u32 v13, v11  }
0x82: {  	v14 =	vand.u32 $0x6F, v46  }
0x83: {  	v9 =	vor.u32 v4, v9;
	v14 =	vor.u32 v14, v11  }
0x84: {  	v9 =	vand.u32 $0x7F, v9  }
0x85: {  	v9 =	vor.u32 v9, v11;
	v10 =	vld.idx.msk [tilespmem:v10+s19+$0x0], $0xffff  }
0x86: {  	v47 =	vld.idx.msk [tilespmem:v13+s19+$0x0], $0xffff;
	_ =	sdelay $0x1  }
0x87: {  	v48 =	vld.idx.msk [tilespmem:v14+s19+$0x0], $0xffff;
	_ =	sdelay $0x1  }
0x88: {  	v9 =	vld.idx.msk [tilespmem:v9+s19+$0x0], $0xffff  }
0x89: {  	v10 =	vmul.f32 v10, v5;
	v11 =	vmul.f32 v47, v6;
	_ =	sdelay $0x1  }
0x8a: {  	v49 =	vmul.f32 v48, v7;
	v10 =	vadd.f32 v11, v10  }
0x8b: {  	s29 =	sadd.s32 $0xFFFFFFEA, s28  }
0x8c: {  	v50 =	vmov s29;
	v9 =	vmul.f32 v9, v8;
	v10 =	vadd.f32 v49, v10;
	_ =	sdelay $0x1  }
0x8d: {  	v9 =	vadd.f32 v9, v10;
	_ =	sdelay $0x1  }
0x8e: {  	[tilespmem:v41+s23+$0x0] =	vst.idx.add.f32.msk $0xffff, v9  }
0x8f: {  	v9 =	vld.idx.msk [tilespmem:v50+s15+$0x0], $0xffff;
	_ =	sdelay $0x4  }
0x90: {  	v9 =	vshll.u32 v9, $0x6  }
0x91: {  	v53 =	vshll.u32 v50, $0x7;
	v51 =	vor.u32 v1, v9;
	v52 =	vand.u32 $0xFFFFFF80, v9  }
0x92: {  	v54 =	vor.u32 v2, v9;
	v10 =	vand.u32 $0x4F, v51;
	v12 =	vadd.s32 v53, v52  }
0x93: {  	v13 =	vand.u32 $0x5F, v54;
	v10 =	vor.u32 v10, v12  }
0x94: {  	v55 =	vor.u32 v3, v9;
	v13 =	vor.u32 v13, v12  }
0x95: {  	v14 =	vand.u32 $0x6F, v55  }
0x96: {  	v9 =	vor.u32 v4, v9;
	v14 =	vor.u32 v14, v12  }
0x97: {  	v9 =	vand.u32 $0x7F, v9  }
0x98: {  	v9 =	vor.u32 v9, v12;
	v10 =	vld.idx.msk [tilespmem:v10+s19+$0x0], $0xffff  }
0x99: {  	v56 =	vld.idx.msk [tilespmem:v13+s19+$0x0], $0xffff;
	_ =	sdelay $0x1  }
0x9a: {  	v57 =	vld.idx.msk [tilespmem:v14+s19+$0x0], $0xffff;
	_ =	sdelay $0x1  }
0x9b: {  	v9 =	vld.idx.msk [tilespmem:v9+s19+$0x0], $0xffff  }
0x9c: {  	v10 =	vmul.f32 v10, v5;
	v12 =	vmul.f32 v56, v6;
	_ =	sdelay $0x1  }
0x9d: {  	v58 =	vmul.f32 v57, v7;
	v10 =	vadd.f32 v12, v10  }
0x9e: {  	s29 =	sadd.s32 $0xFFFFFFEB, s28  }
0x9f: {  	v59 =	vmov s29;
	v9 =	vmul.f32 v9, v8;
	v10 =	vadd.f32 v58, v10;
	_ =	sdelay $0x1  }
0xa0: {  	v9 =	vadd.f32 v9, v10;
	_ =	sdelay $0x1  }
0xa1: {  	[tilespmem:v50+s23+$0x0] =	vst.idx.add.f32.msk $0xffff, v9  }
0xa2: {  	v9 =	vld.idx.msk [tilespmem:v59+s15+$0x0], $0xffff;
	_ =	sdelay $0x4  }
0xa3: {  	v9 =	vshll.u32 v9, $0x6  }
0xa4: {  	v62 =	vshll.u32 v59, $0x7;
	v60 =	vor.u32 v1, v9;
	v61 =	vand.u32 $0xFFFFFF80, v9  }
0xa5: {  	v63 =	vor.u32 v2, v9;
	v10 =	vand.u32 $0x4F, v60;
	v11 =	vadd.s32 v62, v61  }
0xa6: {  	v13 =	vand.u32 $0x5F, v63;
	v10 =	vor.u32 v10, v11  }
0xa7: {  	v16 =	vor.u32 v3, v9;
	v13 =	vor.u32 v13, v11  }
0xa8: {  	v14 =	vand.u32 $0x6F, v16  }
0xa9: {  	v9 =	vor.u32 v4, v9;
	v14 =	vor.u32 v14, v11  }
0xaa: {  	v9 =	vand.u32 $0x7F, v9  }
0xab: {  	v9 =	vor.u32 v9, v11;
	v10 =	vld.idx.msk [tilespmem:v10+s19+$0x0], $0xffff  }
0xac: {  	v17 =	vld.idx.msk [tilespmem:v13+s19+$0x0], $0xffff;
	_ =	sdelay $0x1  }
0xad: {  	v18 =	vld.idx.msk [tilespmem:v14+s19+$0x0], $0xffff;
	_ =	sdelay $0x1  }
0xae: {  	v9 =	vld.idx.msk [tilespmem:v9+s19+$0x0], $0xffff  }
0xaf: {  	v10 =	vmul.f32 v10, v5;
	v11 =	vmul.f32 v17, v6;
	_ =	sdelay $0x1  }
0xb0: {  	v19 =	vmul.f32 v18, v7;
	v10 =	vadd.f32 v11, v10  }
0xb1: {  	s29 =	sadd.s32 $0xFFFFFFEC, s28  }
0xb2: {  	v20 =	vmov s29;
	v9 =	vmul.f32 v9, v8;
	v10 =	vadd.f32 v19, v10;
	_ =	sdelay $0x1  }
0xb3: {  	v9 =	vadd.f32 v9, v10;
	_ =	sdelay $0x1  }
0xb4: {  	[tilespmem:v59+s23+$0x0] =	vst.idx.add.f32.msk $0xffff, v9  }
0xb5: {  	v9 =	vld.idx.msk [tilespmem:v20+s15+$0x0], $0xffff;
	_ =	sdelay $0x4  }
0xb6: {  	v9 =	vshll.u32 v9, $0x6  }
0xb7: {  	v23 =	vshll.u32 v20, $0x7;
	v21 =	vor.u32 v1, v9;
	v22 =	vand.u32 $0xFFFFFF80, v9  }
0xb8: {  	v24 =	vor.u32 v2, v9;
	v10 =	vand.u32 $0x4F, v21;
	v12 =	vadd.s32 v23, v22  }
0xb9: {  	v13 =	vand.u32 $0x5F, v24;
	v10 =	vor.u32 v10, v12  }
0xba: {  	v25 =	vor.u32 v3, v9;
	v13 =	vor.u32 v13, v12  }
0xbb: {  	v14 =	vand.u32 $0x6F, v25  }
0xbc: {  	v9 =	vor.u32 v4, v9;
	v14 =	vor.u32 v14, v12  }
0xbd: {  	v9 =	vand.u32 $0x7F, v9  }
0xbe: {  	v9 =	vor.u32 v9, v12;
	v10 =	vld.idx.msk [tilespmem:v10+s19+$0x0], $0xffff  }
0xbf: {  	v26 =	vld.idx.msk [tilespmem:v13+s19+$0x0], $0xffff;
	_ =	sdelay $0x1  }
0xc0: {  	v27 =	vld.idx.msk [tilespmem:v14+s19+$0x0], $0xffff;
	_ =	sdelay $0x1  }
0xc1: {  	v9 =	vld.idx.msk [tilespmem:v9+s19+$0x0], $0xffff  }
0xc2: {  	v10 =	vmul.f32 v10, v5;
	v12 =	vmul.f32 v26, v6;
	_ =	sdelay $0x1  }
0xc3: {  	v28 =	vmul.f32 v27, v7;
	v10 =	vadd.f32 v12, v10  }
0xc4: {  	s29 =	sadd.s32 $0xFFFFFFED, s28  }
0xc5: {  	v29 =	vmov s29;
	v9 =	vmul.f32 v9, v8;
	v10 =	vadd.f32 v28, v10;
	_ =	sdelay $0x1  }
0xc6: {  	v9 =	vadd.f32 v9, v10;
	_ =	sdelay $0x1  }
0xc7: {  	[tilespmem:v20+s23+$0x0] =	vst.idx.add.f32.msk $0xffff, v9  }
0xc8: {  	v9 =	vld.idx.msk [tilespmem:v29+s15+$0x0], $0xffff;
	_ =	sdelay $0x4  }
0xc9: {  	v9 =	vshll.u32 v9, $0x6  }
0xca: {  	v32 =	vshll.u32 v29, $0x7;
	v30 =	vor.u32 v1, v9;
	v31 =	vand.u32 $0xFFFFFF80, v9  }
0xcb: {  	v33 =	vor.u32 v2, v9;
	v10 =	vand.u32 $0x4F, v30;
	v11 =	vadd.s32 v32, v31  }
0xcc: {  	v13 =	vand.u32 $0x5F, v33;
	v10 =	vor.u32 v10, v11  }
0xcd: {  	v34 =	vor.u32 v3, v9;
	v13 =	vor.u32 v13, v11  }
0xce: {  	v14 =	vand.u32 $0x6F, v34  }
0xcf: {  	v9 =	vor.u32 v4, v9;
	v14 =	vor.u32 v14, v11  }
0xd0: {  	v9 =	vand.u32 $0x7F, v9  }
0xd1: {  	v9 =	vor.u32 v9, v11;
	v10 =	vld.idx.msk [tilespmem:v10+s19+$0x0], $0xffff  }
0xd2: {  	v35 =	vld.idx.msk [tilespmem:v13+s19+$0x0], $0xffff;
	_ =	sdelay $0x1  }
0xd3: {  	v36 =	vld.idx.msk [tilespmem:v14+s19+$0x0], $0xffff;
	_ =	sdelay $0x1  }
0xd4: {  	v9 =	vld.idx.msk [tilespmem:v9+s19+$0x0], $0xffff  }
0xd5: {  	v10 =	vmul.f32 v10, v5;
	v11 =	vmul.f32 v35, v6;
	_ =	sdelay $0x1  }
0xd6: {  	v37 =	vmul.f32 v36, v7;
	v10 =	vadd.f32 v11, v10  }
0xd7: {  	s29 =	sadd.s32 $0xFFFFFFEE, s28  }
0xd8: {  	v38 =	vmov s29;
	v9 =	vmul.f32 v9, v8;
	v10 =	vadd.f32 v37, v10;
	_ =	sdelay $0x1  }
0xd9: {  	v9 =	vadd.f32 v9, v10;
	_ =	sdelay $0x1  }
0xda: {  	[tilespmem:v29+s23+$0x0] =	vst.idx.add.f32.msk $0xffff, v9  }
0xdb: {  	v9 =	vld.idx.msk [tilespmem:v38+s15+$0x0], $0xffff;
	_ =	sdelay $0x4  }
0xdc: {  	v9 =	vshll.u32 v9, $0x6  }
0xdd: {  	v41 =	vshll.u32 v38, $0x7;
	v39 =	vor.u32 v1, v9;
	v40 =	vand.u32 $0xFFFFFF80, v9  }
0xde: {  	v42 =	vor.u32 v2, v9;
	v10 =	vand.u32 $0x4F, v39;
	v12 =	vadd.s32 v41, v40  }
0xdf: {  	v13 =	vand.u32 $0x5F, v42;
	v10 =	vor.u32 v10, v12  }
0xe0: {  	v43 =	vor.u32 v3, v9;
	v13 =	vor.u32 v13, v12  }
0xe1: {  	v14 =	vand.u32 $0x6F, v43  }
0xe2: {  	v9 =	vor.u32 v4, v9;
	v14 =	vor.u32 v14, v12  }
0xe3: {  	v9 =	vand.u32 $0x7F, v9  }
0xe4: {  	v9 =	vor.u32 v9, v12;
	v10 =	vld.idx.msk [tilespmem:v10+s19+$0x0], $0xffff  }
0xe5: {  	v44 =	vld.idx.msk [tilespmem:v13+s19+$0x0], $0xffff;
	_ =	sdelay $0x1  }
0xe6: {  	v45 =	vld.idx.msk [tilespmem:v14+s19+$0x0], $0xffff;
	_ =	sdelay $0x1  }
0xe7: {  	v9 =	vld.idx.msk [tilespmem:v9+s19+$0x0], $0xffff  }
0xe8: {  	v10 =	vmul.f32 v10, v5;
	v12 =	vmul.f32 v44, v6;
	_ =	sdelay $0x1  }
0xe9: {  	v46 =	vmul.f32 v45, v7;
	v10 =	vadd.f32 v12, v10  }
0xea: {  	s29 =	sadd.s32 $0xFFFFFFEF, s28  }
0xeb: {  	v47 =	vmov s29;
	v9 =	vmul.f32 v9, v8;
	v10 =	vadd.f32 v46, v10;
	_ =	sdelay $0x1  }
0xec: {  	v9 =	vadd.f32 v9, v10;
	_ =	sdelay $0x1  }
0xed: {  	[tilespmem:v38+s23+$0x0] =	vst.idx.add.f32.msk $0xffff, v9  }
0xee: {  	v9 =	vld.idx.msk [tilespmem:v47+s15+$0x0], $0xffff;
	_ =	sdelay $0x4  }
0xef: {  	v9 =	vshll.u32 v9, $0x6  }
0xf0: {  	v50 =	vshll.u32 v47, $0x7;
	v48 =	vor.u32 v1, v9;
	v49 =	vand.u32 $0xFFFFFF80, v9  }
0xf1: {  	v51 =	vor.u32 v2, v9;
	v10 =	vand.u32 $0x4F, v48;
	v11 =	vadd.s32 v50, v49  }
0xf2: {  	v13 =	vand.u32 $0x5F, v51;
	v10 =	vor.u32 v10, v11  }
0xf3: {  	v52 =	vor.u32 v3, v9;
	v13 =	vor.u32 v13, v11  }
0xf4: {  	v14 =	vand.u32 $0x6F, v52  }
0xf5: {  	v9 =	vor.u32 v4, v9;
	v14 =	vor.u32 v14, v11  }
0xf6: {  	v9 =	vand.u32 $0x7F, v9  }
0xf7: {  	v9 =	vor.u32 v9, v11;
	v10 =	vld.idx.msk [tilespmem:v10+s19+$0x0], $0xffff  }
0xf8: {  	v53 =	vld.idx.msk [tilespmem:v13+s19+$0x0], $0xffff;
	_ =	sdelay $0x1  }
0xf9: {  	v54 =	vld.idx.msk [tilespmem:v14+s19+$0x0], $0xffff;
	_ =	sdelay $0x1  }
0xfa: {  	v9 =	vld.idx.msk [tilespmem:v9+s19+$0x0], $0xffff  }
0xfb: {  	v10 =	vmul.f32 v10, v5;
	v11 =	vmul.f32 v53, v6;
	_ =	sdelay $0x1  }
0xfc: {  	v55 =	vmul.f32 v54, v7;
	v10 =	vadd.f32 v11, v10  }
0xfd: {  	s29 =	sadd.s32 $0xFFFFFFF0, s28  }
0xfe: {  	v56 =	vmov s29;
	v9 =	vmul.f32 v9, v8;
	v10 =	vadd.f32 v55, v10;
	_ =	sdelay $0x1  }
0xff: {  	v9 =	vadd.f32 v9, v10;
	_ =	sdelay $0x1  }
0x100: {  	[tilespmem:v47+s23+$0x0] =	vst.idx.add.f32.msk $0xffff, v9  }
0x101: {  	v9 =	vld.idx.msk [tilespmem:v56+s15+$0x0], $0xffff;
	_ =	sdelay $0x4  }
0x102: {  	v9 =	vshll.u32 v9, $0x6  }
0x103: {  	v59 =	vshll.u32 v56, $0x7;
	v57 =	vor.u32 v1, v9;
	v58 =	vand.u32 $0xFFFFFF80, v9  }
0x104: {  	v60 =	vor.u32 v2, v9;
	v10 =	vand.u32 $0x4F, v57;
	v12 =	vadd.s32 v59, v58  }
0x105: {  	v13 =	vand.u32 $0x5F, v60;
	v10 =	vor.u32 v10, v12  }
0x106: {  	v61 =	vor.u32 v3, v9;
	v13 =	vor.u32 v13, v12  }
0x107: {  	v14 =	vand.u32 $0x6F, v61  }
0x108: {  	v9 =	vor.u32 v4, v9;
	v14 =	vor.u32 v14, v12  }
0x109: {  	v9 =	vand.u32 $0x7F, v9  }
0x10a: {  	v9 =	vor.u32 v9, v12;
	v10 =	vld.idx.msk [tilespmem:v10+s19+$0x0], $0xffff  }
0x10b: {  	v62 =	vld.idx.msk [tilespmem:v13+s19+$0x0], $0xffff;
	_ =	sdelay $0x1  }
0x10c: {  	v63 =	vld.idx.msk [tilespmem:v14+s19+$0x0], $0xffff;
	_ =	sdelay $0x1  }
0x10d: {  	v9 =	vld.idx.msk [tilespmem:v9+s19+$0x0], $0xffff  }
0x10e: {  	v10 =	vmul.f32 v10, v5;
	v12 =	vmul.f32 v62, v6;
	_ =	sdelay $0x1  }
0x10f: {  	v16 =	vmul.f32 v63, v7;
	v10 =	vadd.f32 v12, v10  }
0x110: {  	s29 =	sadd.s32 $0xFFFFFFF1, s28  }
0x111: {  	v17 =	vmov s29;
	v9 =	vmul.f32 v9, v8;
	v10 =	vadd.f32 v16, v10;
	_ =	sdelay $0x1  }
0x112: {  	v9 =	vadd.f32 v9, v10;
	_ =	sdelay $0x1  }
0x113: {  	[tilespmem:v56+s23+$0x0] =	vst.idx.add.f32.msk $0xffff, v9  }
0x114: {  	v9 =	vld.idx.msk [tilespmem:v17+s15+$0x0], $0xffff;
	_ =	sdelay $0x4  }
0x115: {  	v9 =	vshll.u32 v9, $0x6  }
0x116: {  	v20 =	vshll.u32 v17, $0x7;
	v18 =	vor.u32 v1, v9;
	v19 =	vand.u32 $0xFFFFFF80, v9  }
0x117: {  	v21 =	vor.u32 v2, v9;
	v10 =	vand.u32 $0x4F, v18;
	v11 =	vadd.s32 v20, v19  }
0x118: {  	v13 =	vand.u32 $0x5F, v21;
	v10 =	vor.u32 v10, v11  }
0x119: {  	v22 =	vor.u32 v3, v9;
	v13 =	vor.u32 v13, v11  }
0x11a: {  	v14 =	vand.u32 $0x6F, v22  }
0x11b: {  	v9 =	vor.u32 v4, v9;
	v14 =	vor.u32 v14, v11  }
0x11c: {  	v9 =	vand.u32 $0x7F, v9  }
0x11d: {  	v9 =	vor.u32 v9, v11;
	v10 =	vld.idx.msk [tilespmem:v10+s19+$0x0], $0xffff  }
0x11e: {  	v23 =	vld.idx.msk [tilespmem:v13+s19+$0x0], $0xffff;
	_ =	sdelay $0x1  }
0x11f: {  	v24 =	vld.idx.msk [tilespmem:v14+s19+$0x0], $0xffff;
	_ =	sdelay $0x1  }
0x120: {  	v9 =	vld.idx.msk [tilespmem:v9+s19+$0x0], $0xffff  }
0x121: {  	v10 =	vmul.f32 v10, v5;
	v11 =	vmul.f32 v23, v6;
	_ =	sdelay $0x1  }
0x122: {  	v25 =	vmul.f32 v24, v7;
	v10 =	vadd.f32 v11, v10  }
0x123: {  	s29 =	sadd.s32 $0xFFFFFFF2, s28  }
0x124: {  	v26 =	vmov s29;
	v9 =	vmul.f32 v9, v8;
	v10 =	vadd.f32 v25, v10;
	_ =	sdelay $0x1  }
0x125: {  	v9 =	vadd.f32 v9, v10;
	_ =	sdelay $0x1  }
0x126: {  	[tilespmem:v17+s23+$0x0] =	vst.idx.add.f32.msk $0xffff, v9  }
0x127: {  	v9 =	vld.idx.msk [tilespmem:v26+s15+$0x0], $0xffff;
	_ =	sdelay $0x4  }
0x128: {  	v9 =	vshll.u32 v9, $0x6  }
0x129: {  	v29 =	vshll.u32 v26, $0x7;
	v27 =	vor.u32 v1, v9;
	v28 =	vand.u32 $0xFFFFFF80, v9  }
0x12a: {  	v30 =	vor.u32 v2, v9;
	v10 =	vand.u32 $0x4F, v27;
	v12 =	vadd.s32 v29, v28  }
0x12b: {  	v13 =	vand.u32 $0x5F, v30;
	v10 =	vor.u32 v10, v12  }
0x12c: {  	v31 =	vor.u32 v3, v9;
	v13 =	vor.u32 v13, v12  }
0x12d: {  	v14 =	vand.u32 $0x6F, v31  }
0x12e: {  	v9 =	vor.u32 v4, v9;
	v14 =	vor.u32 v14, v12  }
0x12f: {  	v9 =	vand.u32 $0x7F, v9  }
0x130: {  	v9 =	vor.u32 v9, v12;
	v10 =	vld.idx.msk [tilespmem:v10+s19+$0x0], $0xffff  }
0x131: {  	v32 =	vld.idx.msk [tilespmem:v13+s19+$0x0], $0xffff;
	_ =	sdelay $0x1  }
0x132: {  	v33 =	vld.idx.msk [tilespmem:v14+s19+$0x0], $0xffff;
	_ =	sdelay $0x1  }
0x133: {  	v9 =	vld.idx.msk [tilespmem:v9+s19+$0x0], $0xffff  }
0x134: {  	v10 =	vmul.f32 v10, v5;
	v12 =	vmul.f32 v32, v6;
	_ =	sdelay $0x1  }
0x135: {  	v34 =	vmul.f32 v33, v7;
	v10 =	vadd.f32 v12, v10  }
0x136: {  	s29 =	sadd.s32 $0xFFFFFFF3, s28  }
0x137: {  	v35 =	vmov s29;
	v9 =	vmul.f32 v9, v8;
	v10 =	vadd.f32 v34, v10;
	_ =	sdelay $0x1  }
0x138: {  	v9 =	vadd.f32 v9, v10;
	_ =	sdelay $0x1  }
0x139: {  	[tilespmem:v26+s23+$0x0] =	vst.idx.add.f32.msk $0xffff, v9  }
0x13a: {  	v9 =	vld.idx.msk [tilespmem:v35+s15+$0x0], $0xffff;
	_ =	sdelay $0x4  }
0x13b: {  	v9 =	vshll.u32 v9, $0x6  }
0x13c: {  	v38 =	vshll.u32 v35, $0x7;
	v36 =	vor.u32 v1, v9;
	v37 =	vand.u32 $0xFFFFFF80, v9  }
0x13d: {  	v39 =	vor.u32 v2, v9;
	v10 =	vand.u32 $0x4F, v36;
	v11 =	vadd.s32 v38, v37  }
0x13e: {  	v13 =	vand.u32 $0x5F, v39;
	v10 =	vor.u32 v10, v11  }
0x13f: {  	v40 =	vor.u32 v3, v9;
	v13 =	vor.u32 v13, v11  }
0x140: {  	v14 =	vand.u32 $0x6F, v40  }
0x141: {  	v9 =	vor.u32 v4, v9;
	v14 =	vor.u32 v14, v11  }
0x142: {  	v9 =	vand.u32 $0x7F, v9  }
0x143: {  	v9 =	vor.u32 v9, v11;
	v10 =	vld.idx.msk [tilespmem:v10+s19+$0x0], $0xffff  }
0x144: {  	v41 =	vld.idx.msk [tilespmem:v13+s19+$0x0], $0xffff;
	_ =	sdelay $0x1  }
0x145: {  	v42 =	vld.idx.msk [tilespmem:v14+s19+$0x0], $0xffff;
	_ =	sdelay $0x1  }
0x146: {  	v9 =	vld.idx.msk [tilespmem:v9+s19+$0x0], $0xffff  }
0x147: {  	v10 =	vmul.f32 v10, v5;
	v11 =	vmul.f32 v41, v6;
	_ =	sdelay $0x1  }
0x148: {  	v43 =	vmul.f32 v42, v7;
	v10 =	vadd.f32 v11, v10  }
0x149: {  	s29 =	sadd.s32 $0xFFFFFFF4, s28  }
0x14a: {  	v44 =	vmov s29;
	v9 =	vmul.f32 v9, v8;
	v10 =	vadd.f32 v43, v10;
	_ =	sdelay $0x1  }
0x14b: {  	v9 =	vadd.f32 v9, v10;
	_ =	sdelay $0x1  }
0x14c: {  	[tilespmem:v35+s23+$0x0] =	vst.idx.add.f32.msk $0xffff, v9  }
0x14d: {  	v9 =	vld.idx.msk [tilespmem:v44+s15+$0x0], $0xffff;
	_ =	sdelay $0x4  }
0x14e: {  	v9 =	vshll.u32 v9, $0x6  }
0x14f: {  	v47 =	vshll.u32 v44, $0x7;
	v45 =	vor.u32 v1, v9;
	v46 =	vand.u32 $0xFFFFFF80, v9  }
0x150: {  	v48 =	vor.u32 v2, v9;
	v10 =	vand.u32 $0x4F, v45;
	v12 =	vadd.s32 v47, v46  }
0x151: {  	v13 =	vand.u32 $0x5F, v48;
	v10 =	vor.u32 v10, v12  }
0x152: {  	v49 =	vor.u32 v3, v9;
	v13 =	vor.u32 v13, v12  }
0x153: {  	v14 =	vand.u32 $0x6F, v49  }
0x154: {  	v9 =	vor.u32 v4, v9;
	v14 =	vor.u32 v14, v12  }
0x155: {  	v9 =	vand.u32 $0x7F, v9  }
0x156: {  	v9 =	vor.u32 v9, v12;
	v10 =	vld.idx.msk [tilespmem:v10+s19+$0x0], $0xffff  }
0x157: {  	v50 =	vld.idx.msk [tilespmem:v13+s19+$0x0], $0xffff;
	_ =	sdelay $0x1  }
0x158: {  	v51 =	vld.idx.msk [tilespmem:v14+s19+$0x0], $0xffff;
	_ =	sdelay $0x1  }
0x159: {  	v9 =	vld.idx.msk [tilespmem:v9+s19+$0x0], $0xffff  }
0x15a: {  	v10 =	vmul.f32 v10, v5;
	v12 =	vmul.f32 v50, v6;
	_ =	sdelay $0x1  }
0x15b: {  	v52 =	vmul.f32 v51, v7;
	v10 =	vadd.f32 v12, v10  }
0x15c: {  	s29 =	sadd.s32 $0xFFFFFFF5, s28  }
0x15d: {  	v53 =	vmov s29;
	v9 =	vmul.f32 v9, v8;
	v10 =	vadd.f32 v52, v10;
	_ =	sdelay $0x1  }
0x15e: {  	v9 =	vadd.f32 v9, v10;
	_ =	sdelay $0x1  }
0x15f: {  	[tilespmem:v44+s23+$0x0] =	vst.idx.add.f32.msk $0xffff, v9  }
0x160: {  	v9 =	vld.idx.msk [tilespmem:v53+s15+$0x0], $0xffff;
	_ =	sdelay $0x4  }
0x161: {  	v9 =	vshll.u32 v9, $0x6  }
0x162: {  	v56 =	vshll.u32 v53, $0x7;
	v54 =	vor.u32 v1, v9;
	v55 =	vand.u32 $0xFFFFFF80, v9  }
0x163: {  	v57 =	vor.u32 v2, v9;
	v10 =	vand.u32 $0x4F, v54;
	v11 =	vadd.s32 v56, v55  }
0x164: {  	v13 =	vand.u32 $0x5F, v57;
	v10 =	vor.u32 v10, v11  }
0x165: {  	v58 =	vor.u32 v3, v9;
	v13 =	vor.u32 v13, v11  }
0x166: {  	v14 =	vand.u32 $0x6F, v58  }
0x167: {  	v9 =	vor.u32 v4, v9;
	v14 =	vor.u32 v14, v11  }
0x168: {  	v9 =	vand.u32 $0x7F, v9  }
0x169: {  	v9 =	vor.u32 v9, v11;
	v10 =	vld.idx.msk [tilespmem:v10+s19+$0x0], $0xffff  }
0x16a: {  	v59 =	vld.idx.msk [tilespmem:v13+s19+$0x0], $0xffff;
	_ =	sdelay $0x1  }
0x16b: {  	v60 =	vld.idx.msk [tilespmem:v14+s19+$0x0], $0xffff;
	_ =	sdelay $0x1  }
0x16c: {  	v9 =	vld.idx.msk [tilespmem:v9+s19+$0x0], $0xffff  }
0x16d: {  	v10 =	vmul.f32 v10, v5;
	v11 =	vmul.f32 v59, v6;
	_ =	sdelay $0x1  }
0x16e: {  	v61 =	vmul.f32 v60, v7;
	v10 =	vadd.f32 v11, v10  }
0x16f: {  	s29 =	sadd.s32 $0xFFFFFFF6, s28  }
0x170: {  	v62 =	vmov s29;
	v9 =	vmul.f32 v9, v8;
	v10 =	vadd.f32 v61, v10;
	_ =	sdelay $0x1  }
0x171: {  	v9 =	vadd.f32 v9, v10;
	_ =	sdelay $0x1  }
0x172: {  	[tilespmem:v53+s23+$0x0] =	vst.idx.add.f32.msk $0xffff, v9  }
0x173: {  	v9 =	vld.idx.msk [tilespmem:v62+s15+$0x0], $0xffff;
	_ =	sdelay $0x4  }
0x174: {  	v9 =	vshll.u32 v9, $0x6  }
0x175: {  	v17 =	vshll.u32 v62, $0x7;
	v63 =	vor.u32 v1, v9;
	v16 =	vand.u32 $0xFFFFFF80, v9  }
0x176: {  	v18 =	vor.u32 v2, v9;
	v10 =	vand.u32 $0x4F, v63;
	v12 =	vadd.s32 v17, v16  }
0x177: {  	v13 =	vand.u32 $0x5F, v18;
	v10 =	vor.u32 v10, v12  }
0x178: {  	v19 =	vor.u32 v3, v9;
	v13 =	vor.u32 v13, v12  }
0x179: {  	v14 =	vand.u32 $0x6F, v19  }
0x17a: {  	v9 =	vor.u32 v4, v9;
	v14 =	vor.u32 v14, v12  }
0x17b: {  	v9 =	vand.u32 $0x7F, v9  }
0x17c: {  	v9 =	vor.u32 v9, v12;
	v10 =	vld.idx.msk [tilespmem:v10+s19+$0x0], $0xffff  }
0x17d: {  	v20 =	vld.idx.msk [tilespmem:v13+s19+$0x0], $0xffff;
	_ =	sdelay $0x1  }
0x17e: {  	v21 =	vld.idx.msk [tilespmem:v14+s19+$0x0], $0xffff;
	_ =	sdelay $0x1  }
0x17f: {  	v9 =	vld.idx.msk [tilespmem:v9+s19+$0x0], $0xffff  }
0x180: {  	v10 =	vmul.f32 v10, v5;
	v12 =	vmul.f32 v20, v6;
	_ =	sdelay $0x1  }
0x181: {  	v22 =	vmul.f32 v21, v7;
	v10 =	vadd.f32 v12, v10  }
0x182: {  	s29 =	sadd.s32 $0xFFFFFFF7, s28  }
0x183: {  	v23 =	vmov s29;
	v9 =	vmul.f32 v9, v8;
	v10 =	vadd.f32 v22, v10;
	_ =	sdelay $0x1  }
0x184: {  	v9 =	vadd.f32 v9, v10;
	_ =	sdelay $0x1  }
0x185: {  	[tilespmem:v62+s23+$0x0] =	vst.idx.add.f32.msk $0xffff, v9  }
0x186: {  	v9 =	vld.idx.msk [tilespmem:v23+s15+$0x0], $0xffff;
	_ =	sdelay $0x4  }
0x187: {  	v9 =	vshll.u32 v9, $0x6  }
0x188: {  	v26 =	vshll.u32 v23, $0x7;
	v24 =	vor.u32 v1, v9;
	v25 =	vand.u32 $0xFFFFFF80, v9  }
0x189: {  	v27 =	vor.u32 v2, v9;
	v10 =	vand.u32 $0x4F, v24;
	v11 =	vadd.s32 v26, v25  }
0x18a: {  	v13 =	vand.u32 $0x5F, v27;
	v10 =	vor.u32 v10, v11  }
0x18b: {  	v28 =	vor.u32 v3, v9;
	v13 =	vor.u32 v13, v11  }
0x18c: {  	v14 =	vand.u32 $0x6F, v28  }
0x18d: {  	v9 =	vor.u32 v4, v9;
	v14 =	vor.u32 v14, v11  }
0x18e: {  	v9 =	vand.u32 $0x7F, v9  }
0x18f: {  	v9 =	vor.u32 v9, v11;
	v10 =	vld.idx.msk [tilespmem:v10+s19+$0x0], $0xffff  }
0x190: {  	v29 =	vld.idx.msk [tilespmem:v13+s19+$0x0], $0xffff;
	_ =	sdelay $0x1  }
0x191: {  	v30 =	vld.idx.msk [tilespmem:v14+s19+$0x0], $0xffff;
	_ =	sdelay $0x1  }
0x192: {  	v9 =	vld.idx.msk [tilespmem:v9+s19+$0x0], $0xffff  }
0x193: {  	v10 =	vmul.f32 v10, v5;
	v11 =	vmul.f32 v29, v6;
	_ =	sdelay $0x1  }
0x194: {  	v31 =	vmul.f32 v30, v7;
	v10 =	vadd.f32 v11, v10  }
0x195: {  	s29 =	sadd.s32 $0xFFFFFFF8, s28  }
0x196: {  	v32 =	vmov s29;
	v9 =	vmul.f32 v9, v8;
	v10 =	vadd.f32 v31, v10;
	_ =	sdelay $0x1  }
0x197: {  	v9 =	vadd.f32 v9, v10;
	_ =	sdelay $0x1  }
0x198: {  	[tilespmem:v23+s23+$0x0] =	vst.idx.add.f32.msk $0xffff, v9  }
0x199: {  	v9 =	vld.idx.msk [tilespmem:v32+s15+$0x0], $0xffff;
	_ =	sdelay $0x4  }
0x19a: {  	v9 =	vshll.u32 v9, $0x6  }
0x19b: {  	v35 =	vshll.u32 v32, $0x7;
	v33 =	vor.u32 v1, v9;
	v34 =	vand.u32 $0xFFFFFF80, v9  }
0x19c: {  	v36 =	vor.u32 v2, v9;
	v10 =	vand.u32 $0x4F, v33;
	v12 =	vadd.s32 v35, v34  }
0x19d: {  	v13 =	vand.u32 $0x5F, v36;
	v10 =	vor.u32 v10, v12  }
0x19e: {  	v37 =	vor.u32 v3, v9;
	v13 =	vor.u32 v13, v12  }
0x19f: {  	v14 =	vand.u32 $0x6F, v37  }
0x1a0: {  	v9 =	vor.u32 v4, v9;
	v14 =	vor.u32 v14, v12  }
0x1a1: {  	v9 =	vand.u32 $0x7F, v9  }
0x1a2: {  	v9 =	vor.u32 v9, v12;
	v10 =	vld.idx.msk [tilespmem:v10+s19+$0x0], $0xffff  }
0x1a3: {  	v38 =	vld.idx.msk [tilespmem:v13+s19+$0x0], $0xffff;
	_ =	sdelay $0x1  }
0x1a4: {  	v39 =	vld.idx.msk [tilespmem:v14+s19+$0x0], $0xffff;
	_ =	sdelay $0x1  }
0x1a5: {  	v9 =	vld.idx.msk [tilespmem:v9+s19+$0x0], $0xffff  }
0x1a6: {  	v10 =	vmul.f32 v10, v5;
	v12 =	vmul.f32 v38, v6;
	_ =	sdelay $0x1  }
0x1a7: {  	v40 =	vmul.f32 v39, v7;
	v10 =	vadd.f32 v12, v10  }
0x1a8: {  	s29 =	sadd.s32 $0xFFFFFFF9, s28  }
0x1a9: {  	v41 =	vmov s29;
	v9 =	vmul.f32 v9, v8;
	v10 =	vadd.f32 v40, v10;
	_ =	sdelay $0x1  }
0x1aa: {  	v9 =	vadd.f32 v9, v10;
	_ =	sdelay $0x1  }
0x1ab: {  	[tilespmem:v32+s23+$0x0] =	vst.idx.add.f32.msk $0xffff, v9  }
0x1ac: {  	v9 =	vld.idx.msk [tilespmem:v41+s15+$0x0], $0xffff;
	_ =	sdelay $0x4  }
0x1ad: {  	v9 =	vshll.u32 v9, $0x6  }
0x1ae: {  	v44 =	vshll.u32 v41, $0x7;
	v42 =	vor.u32 v1, v9;
	v43 =	vand.u32 $0xFFFFFF80, v9  }
0x1af: {  	v45 =	vor.u32 v2, v9;
	v10 =	vand.u32 $0x4F, v42;
	v11 =	vadd.s32 v44, v43  }
0x1b0: {  	v13 =	vand.u32 $0x5F, v45;
	v10 =	vor.u32 v10, v11  }
0x1b1: {  	v46 =	vor.u32 v3, v9;
	v13 =	vor.u32 v13, v11  }
0x1b2: {  	v14 =	vand.u32 $0x6F, v46  }
0x1b3: {  	v9 =	vor.u32 v4, v9;
	v14 =	vor.u32 v14, v11  }
0x1b4: {  	v9 =	vand.u32 $0x7F, v9  }
0x1b5: {  	v9 =	vor.u32 v9, v11;
	v10 =	vld.idx.msk [tilespmem:v10+s19+$0x0], $0xffff  }
0x1b6: {  	v47 =	vld.idx.msk [tilespmem:v13+s19+$0x0], $0xffff;
	_ =	sdelay $0x1  }
0x1b7: {  	v48 =	vld.idx.msk [tilespmem:v14+s19+$0x0], $0xffff;
	_ =	sdelay $0x1  }
0x1b8: {  	v9 =	vld.idx.msk [tilespmem:v9+s19+$0x0], $0xffff  }
0x1b9: {  	v10 =	vmul.f32 v10, v5;
	v11 =	vmul.f32 v47, v6;
	_ =	sdelay $0x1  }
0x1ba: {  	v49 =	vmul.f32 v48, v7;
	v10 =	vadd.f32 v11, v10  }
0x1bb: {  	s29 =	sadd.s32 $0xFFFFFFFA, s28  }
0x1bc: {  	v50 =	vmov s29;
	v9 =	vmul.f32 v9, v8;
	v10 =	vadd.f32 v49, v10;
	_ =	sdelay $0x1  }
0x1bd: {  	v9 =	vadd.f32 v9, v10;
	_ =	sdelay $0x1  }
0x1be: {  	[tilespmem:v41+s23+$0x0] =	vst.idx.add.f32.msk $0xffff, v9  }
0x1bf: {  	v9 =	vld.idx.msk [tilespmem:v50+s15+$0x0], $0xffff;
	_ =	sdelay $0x4  }
0x1c0: {  	v9 =	vshll.u32 v9, $0x6  }
0x1c1: {  	v53 =	vshll.u32 v50, $0x7;
	v51 =	vor.u32 v1, v9;
	v52 =	vand.u32 $0xFFFFFF80, v9  }
0x1c2: {  	v54 =	vor.u32 v2, v9;
	v10 =	vand.u32 $0x4F, v51;
	v12 =	vadd.s32 v53, v52  }
0x1c3: {  	v13 =	vand.u32 $0x5F, v54;
	v10 =	vor.u32 v10, v12  }
0x1c4: {  	v55 =	vor.u32 v3, v9;
	v13 =	vor.u32 v13, v12  }
0x1c5: {  	v14 =	vand.u32 $0x6F, v55  }
0x1c6: {  	v9 =	vor.u32 v4, v9;
	v14 =	vor.u32 v14, v12  }
0x1c7: {  	v9 =	vand.u32 $0x7F, v9  }
0x1c8: {  	v9 =	vor.u32 v9, v12;
	v10 =	vld.idx.msk [tilespmem:v10+s19+$0x0], $0xffff  }
0x1c9: {  	v56 =	vld.idx.msk [tilespmem:v13+s19+$0x0], $0xffff;
	_ =	sdelay $0x1  }
0x1ca: {  	v57 =	vld.idx.msk [tilespmem:v14+s19+$0x0], $0xffff;
	_ =	sdelay $0x1  }
0x1cb: {  	v9 =	vld.idx.msk [tilespmem:v9+s19+$0x0], $0xffff  }
0x1cc: {  	v10 =	vmul.f32 v10, v5;
	v12 =	vmul.f32 v56, v6;
	_ =	sdelay $0x1  }
0x1cd: {  	v58 =	vmul.f32 v57, v7;
	v10 =	vadd.f32 v12, v10  }
0x1ce: {  	s29 =	sadd.s32 $0xFFFFFFFB, s28  }
0x1cf: {  	v59 =	vmov s29;
	v9 =	vmul.f32 v9, v8;
	v10 =	vadd.f32 v58, v10;
	_ =	sdelay $0x1  }
0x1d0: {  	v9 =	vadd.f32 v9, v10;
	_ =	sdelay $0x1  }
0x1d1: {  	[tilespmem:v50+s23+$0x0] =	vst.idx.add.f32.msk $0xffff, v9  }
0x1d2: {  	v9 =	vld.idx.msk [tilespmem:v59+s15+$0x0], $0xffff;
	_ =	sdelay $0x4  }
0x1d3: {  	v9 =	vshll.u32 v9, $0x6  }
0x1d4: {  	v62 =	vshll.u32 v59, $0x7;
	v60 =	vor.u32 v1, v9;
	v61 =	vand.u32 $0xFFFFFF80, v9  }
0x1d5: {  	v63 =	vor.u32 v2, v9;
	v10 =	vand.u32 $0x4F, v60;
	v11 =	vadd.s32 v62, v61  }
0x1d6: {  	v13 =	vand.u32 $0x5F, v63;
	v10 =	vor.u32 v10, v11  }
0x1d7: {  	v16 =	vor.u32 v3, v9;
	v13 =	vor.u32 v13, v11  }
0x1d8: {  	v14 =	vand.u32 $0x6F, v16  }
0x1d9: {  	v9 =	vor.u32 v4, v9;
	v14 =	vor.u32 v14, v11  }
0x1da: {  	v9 =	vand.u32 $0x7F, v9  }
0x1db: {  	v9 =	vor.u32 v9, v11;
	v10 =	vld.idx.msk [tilespmem:v10+s19+$0x0], $0xffff  }
0x1dc: {  	v17 =	vld.idx.msk [tilespmem:v13+s19+$0x0], $0xffff;
	_ =	sdelay $0x1  }
0x1dd: {  	v18 =	vld.idx.msk [tilespmem:v14+s19+$0x0], $0xffff;
	_ =	sdelay $0x1  }
0x1de: {  	v9 =	vld.idx.msk [tilespmem:v9+s19+$0x0], $0xffff  }
0x1df: {  	v10 =	vmul.f32 v10, v5;
	v11 =	vmul.f32 v17, v6;
	_ =	sdelay $0x1  }
0x1e0: {  	v19 =	vmul.f32 v18, v7;
	v10 =	vadd.f32 v11, v10  }
0x1e1: {  	s29 =	sadd.s32 $0xFFFFFFFC, s28  }
0x1e2: {  	v20 =	vmov s29;
	v9 =	vmul.f32 v9, v8;
	v10 =	vadd.f32 v19, v10;
	_ =	sdelay $0x1  }
0x1e3: {  	v9 =	vadd.f32 v9, v10;
	_ =	sdelay $0x1  }
0x1e4: {  	[tilespmem:v59+s23+$0x0] =	vst.idx.add.f32.msk $0xffff, v9  }
0x1e5: {  	v9 =	vld.idx.msk [tilespmem:v20+s15+$0x0], $0xffff;
	_ =	sdelay $0x4  }
0x1e6: {  	v9 =	vshll.u32 v9, $0x6  }
0x1e7: {  	v23 =	vshll.u32 v20, $0x7;
	v21 =	vor.u32 v1, v9;
	v22 =	vand.u32 $0xFFFFFF80, v9  }
0x1e8: {  	v24 =	vor.u32 v2, v9;
	v10 =	vand.u32 $0x4F, v21;
	v12 =	vadd.s32 v23, v22  }
0x1e9: {  	v13 =	vand.u32 $0x5F, v24;
	v10 =	vor.u32 v10, v12  }
0x1ea: {  	v25 =	vor.u32 v3, v9;
	v13 =	vor.u32 v13, v12  }
0x1eb: {  	v14 =	vand.u32 $0x6F, v25  }
0x1ec: {  	v9 =	vor.u32 v4, v9;
	v14 =	vor.u32 v14, v12  }
0x1ed: {  	v9 =	vand.u32 $0x7F, v9  }
0x1ee: {  	v9 =	vor.u32 v9, v12;
	v10 =	vld.idx.msk [tilespmem:v10+s19+$0x0], $0xffff  }
0x1ef: {  	v26 =	vld.idx.msk [tilespmem:v13+s19+$0x0], $0xffff;
	_ =	sdelay $0x1  }
0x1f0: {  	v27 =	vld.idx.msk [tilespmem:v14+s19+$0x0], $0xffff;
	_ =	sdelay $0x1  }
0x1f1: {  	v9 =	vld.idx.msk [tilespmem:v9+s19+$0x0], $0xffff  }
0x1f2: {  	v10 =	vmul.f32 v10, v5;
	v12 =	vmul.f32 v26, v6;
	_ =	sdelay $0x1  }
0x1f3: {  	v28 =	vmul.f32 v27, v7;
	v10 =	vadd.f32 v12, v10  }
0x1f4: {  	s29 =	sadd.s32 $0xFFFFFFFD, s28  }
0x1f5: {  	v29 =	vmov s29;
	v9 =	vmul.f32 v9, v8;
	v10 =	vadd.f32 v28, v10;
	_ =	sdelay $0x1  }
0x1f6: {  	v9 =	vadd.f32 v9, v10;
	_ =	sdelay $0x1  }
0x1f7: {  	[tilespmem:v20+s23+$0x0] =	vst.idx.add.f32.msk $0xffff, v9  }
0x1f8: {  	v9 =	vld.idx.msk [tilespmem:v29+s15+$0x0], $0xffff;
	_ =	sdelay $0x4  }
0x1f9: {  	v9 =	vshll.u32 v9, $0x6  }
0x1fa: {  	v32 =	vshll.u32 v29, $0x7;
	v30 =	vor.u32 v1, v9;
	v31 =	vand.u32 $0xFFFFFF80, v9  }
0x1fb: {  	v33 =	vor.u32 v2, v9;
	v10 =	vand.u32 $0x4F, v30;
	v11 =	vadd.s32 v32, v31  }
0x1fc: {  	v13 =	vand.u32 $0x5F, v33;
	v10 =	vor.u32 v10, v11  }
0x1fd: {  	v34 =	vor.u32 v3, v9;
	v13 =	vor.u32 v13, v11  }
0x1fe: {  	v14 =	vand.u32 $0x6F, v34  }
0x1ff: {  	v9 =	vor.u32 v4, v9;
	v14 =	vor.u32 v14, v11  }
0x200: {  	v9 =	vand.u32 $0x7F, v9  }
0x201: {  	v9 =	vor.u32 v9, v11;
	v10 =	vld.idx.msk [tilespmem:v10+s19+$0x0], $0xffff  }
0x202: {  	v35 =	vld.idx.msk [tilespmem:v13+s19+$0x0], $0xffff;
	_ =	sdelay $0x1  }
0x203: {  	v36 =	vld.idx.msk [tilespmem:v14+s19+$0x0], $0xffff;
	_ =	sdelay $0x1  }
0x204: {  	v9 =	vld.idx.msk [tilespmem:v9+s19+$0x0], $0xffff  }
0x205: {  	v10 =	vmul.f32 v10, v5;
	v11 =	vmul.f32 v35, v6;
	_ =	sdelay $0x1  }
0x206: {  	v37 =	vmul.f32 v36, v7;
	v10 =	vadd.f32 v11, v10  }
0x207: {  	s29 =	sadd.s32 $0xFFFFFFFE, s28  }
0x208: {  	v38 =	vmov s29;
	v9 =	vmul.f32 v9, v8;
	v10 =	vadd.f32 v37, v10;
	_ =	sdelay $0x1  }
0x209: {  	v9 =	vadd.f32 v9, v10;
	_ =	sdelay $0x1  }
0x20a: {  	[tilespmem:v29+s23+$0x0] =	vst.idx.add.f32.msk $0xffff, v9  }
0x20b: {  	v9 =	vld.idx.msk [tilespmem:v38+s15+$0x0], $0xffff;
	_ =	sdelay $0x4  }
0x20c: {  	v9 =	vshll.u32 v9, $0x6  }
0x20d: {  	v41 =	vshll.u32 v38, $0x7;
	v39 =	vor.u32 v1, v9;
	v40 =	vand.u32 $0xFFFFFF80, v9  }
0x20e: {  	v42 =	vor.u32 v2, v9;
	v10 =	vand.u32 $0x4F, v39;
	v12 =	vadd.s32 v41, v40  }
0x20f: {  	v13 =	vand.u32 $0x5F, v42;
	v10 =	vor.u32 v10, v12  }
0x210: {  	v43 =	vor.u32 v3, v9;
	v13 =	vor.u32 v13, v12  }
0x211: {  	v14 =	vand.u32 $0x6F, v43  }
0x212: {  	v9 =	vor.u32 v4, v9;
	v14 =	vor.u32 v14, v12  }
0x213: {  	v9 =	vand.u32 $0x7F, v9  }
0x214: {  	v9 =	vor.u32 v9, v12;
	v10 =	vld.idx.msk [tilespmem:v10+s19+$0x0], $0xffff  }
0x215: {  	v44 =	vld.idx.msk [tilespmem:v13+s19+$0x0], $0xffff;
	_ =	sdelay $0x1  }
0x216: {  	v45 =	vld.idx.msk [tilespmem:v14+s19+$0x0], $0xffff;
	_ =	sdelay $0x1  }
0x217: {  	v9 =	vld.idx.msk [tilespmem:v9+s19+$0x0], $0xffff  }
0x218: {  	v10 =	vmul.f32 v10, v5;
	v12 =	vmul.f32 v44, v6;
	_ =	sdelay $0x1  }
0x219: {  	v46 =	vmul.f32 v45, v7;
	v10 =	vadd.f32 v12, v10  }
0x21a: {  	s29 =	sadd.s32 $0xFFFFFFFF, s28  }
0x21b: {  	v47 =	vmov s29;
	v9 =	vmul.f32 v9, v8;
	v10 =	vadd.f32 v46, v10;
	_ =	sdelay $0x1  }
0x21c: {  	v9 =	vadd.f32 v9, v10;
	_ =	sdelay $0x1  }
0x21d: {  	[tilespmem:v38+s23+$0x0] =	vst.idx.add.f32.msk $0xffff, v9  }
0x21e: {  	v9 =	vld.idx.msk [tilespmem:v47+s15+$0x0], $0xffff;
	_ =	sdelay $0x4  }
0x21f: {  	v9 =	vshll.u32 v9, $0x6  }
0x220: {  	v50 =	vshll.u32 v47, $0x7;
	v48 =	vor.u32 v1, v9;
	v49 =	vand.u32 $0xFFFFFF80, v9  }
0x221: {  	v51 =	vor.u32 v2, v9;
	v10 =	vand.u32 $0x4F, v48;
	v11 =	vadd.s32 v50, v49  }
0x222: {  	v13 =	vand.u32 $0x5F, v51;
	v10 =	vor.u32 v10, v11  }
0x223: {  	v52 =	vor.u32 v3, v9;
	v13 =	vor.u32 v13, v11  }
0x224: {  	v14 =	vand.u32 $0x6F, v52  }
0x225: {  	v9 =	vor.u32 v4, v9;
	v14 =	vor.u32 v14, v11  }
0x226: {  	v9 =	vand.u32 $0x7F, v9  }
0x227: {  	v9 =	vor.u32 v9, v11;
	v10 =	vld.idx.msk [tilespmem:v10+s19+$0x0], $0xffff  }
0x228: {  	v53 =	vld.idx.msk [tilespmem:v13+s19+$0x0], $0xffff;
	_ =	sdelay $0x1  }
0x229: {  	v54 =	vld.idx.msk [tilespmem:v14+s19+$0x0], $0xffff;
	_ =	sdelay $0x1  }
0x22a: {  	v9 =	vld.idx.msk [tilespmem:v9+s19+$0x0], $0xffff  }
0x22b: {  	v10 =	vmul.f32 v10, v5;
	v11 =	vmul.f32 v53, v6;
	_ =	sdelay $0x1  }
0x22c: {  	v55 =	vmul.f32 v54, v7;
	v10 =	vadd.f32 v11, v10;
	_ =	sdelay $0x1  }
0x22d: {  	v56 =	vmov s28;
	v9 =	vmul.f32 v9, v8;
	v10 =	vadd.f32 v55, v10;
	_ =	sdelay $0x1  }
0x22e: {  	v9 =	vadd.f32 v9, v10;
	_ =	sdelay $0x1  }
0x22f: {  	[tilespmem:v47+s23+$0x0] =	vst.idx.add.f32.msk $0xffff, v9  }
0x230: {  	v9 =	vld.idx.msk [tilespmem:v56+s15+$0x0], $0xffff;
	_ =	sdelay $0x4  }
0x231: {  	v9 =	vshll.u32 v9, $0x6  }
0x232: {  	v59 =	vshll.u32 v56, $0x7;
	v57 =	vor.u32 v1, v9;
	v58 =	vand.u32 $0xFFFFFF80, v9  }
0x233: {  	v60 =	vor.u32 v2, v9;
	v10 =	vand.u32 $0x4F, v57;
	v12 =	vadd.s32 v59, v58  }
0x234: {  	v13 =	vand.u32 $0x5F, v60;
	v10 =	vor.u32 v10, v12  }
0x235: {  	v61 =	vor.u32 v3, v9;
	v13 =	vor.u32 v13, v12  }
0x236: {  	v14 =	vand.u32 $0x6F, v61  }
0x237: {  	v9 =	vor.u32 v4, v9;
	v14 =	vor.u32 v14, v12  }
0x238: {  	v9 =	vand.u32 $0x7F, v9  }
0x239: {  	v9 =	vor.u32 v9, v12;
	v10 =	vld.idx.msk [tilespmem:v10+s19+$0x0], $0xffff  }
0x23a: {  	v62 =	vld.idx.msk [tilespmem:v13+s19+$0x0], $0xffff;
	_ =	sdelay $0x1  }
0x23b: {  	v63 =	vld.idx.msk [tilespmem:v14+s19+$0x0], $0xffff;
	_ =	sdelay $0x1  }
0x23c: {  	v9 =	vld.idx.msk [tilespmem:v9+s19+$0x0], $0xffff  }
0x23d: {  	v5 =	vmul.f32 v10, v5;
	v6 =	vmul.f32 v62, v6;
	_ =	sdelay $0x1  }
0x23e: {  	v5 =	vadd.f32 v6, v5;
	v6 =	vmul.f32 v63, v7  }
0x23f: {  	p0 =	sne.s32 s28, $0x31F  }
.Ltmp1:
0x240: {  	v5 =	vadd.f32 v6, v5;
	v6 =	vmul.f32 v9, v8;
	(pc) =	sbr.rel @p0 .LBB2_5-.Ltmp1, $3  }
0x241: {  	_ = 	snop  }
0x242: {  	v5 =	vadd.f32 v6, v5;
	_ =	sdelay $0x1  }
0x243: {  	s25 =	sadd.s32 $0x1, s25;
	s28 =	sadd.s32 $0x19, s28;
	[tilespmem:v56+s23+$0x0] =	vst.idx.add.f32.msk $0xffff, v5  }
0x244: {  	s24 =	sadd.s32 $0x1, s24  }
0x245: {  	p0 =	sne.s32 s24, $0x10  }
.Ltmp2:
0x246: {  	s25 =	sadd.s32 s9, s26;
	s29 =	simm.s32 $0x0;
	(pc) =	sbr.rel @p0 .LBB2_2-.Ltmp2, $4  }
0x247: {  	[hbm4b:s25+s29] =	stream.linear.scatter [tilespmem:s23], [sflag:$0x2], $0x320, $0x38;
	[tilespmem:$0x1AB80] =	vst v63  }
0x248: {  	_ =	swait.ge [sflag:s12], $0x320  }
0x249: {  	[sflag:s12] =	ssyncset.done $0x0  }
0x24a: {  	[sflag:s12] =	ssyncadd.s32 $0xFFFFFCE0  }
0x24b: {  	s25 =	rddreg [dreg:$0x3]  }
0x24c: {  	s24 =	rddreg [dreg:$0x2];
	s25 =	sadd.s32 $0x1, s25  }
0x24d: {  	p0 =	sne.s32 s25, s24  }
.Ltmp3:
0x24e: {  	_ = 	snop;
	(pc) =	sbr.rel @p0 .LBB2_1-.Ltmp3, $1  }
0x24f: {  	_ =	sdelay $0x3  }
0x250: {  	_ =	sfence.sel $0x180000  }
0x251: {  	[bflag:$0x0] =	sbarrier.arrive $0xFFFF  }
0x252: {  	_ =	strace $0x90000047  }
0x253: {  	s0 =	stileid.u32;
	[bflag:$0x2] =	sbarrier.arrive $0xFFFF  }
0x254: {  	p0 =	sne.s32 s0, $0x0;
	s0 =	rddreg [dreg:$0x1]  }
0x255: {  	s0 =	sadd.s32 @!p0 $0x100000, s0  }
0x256: {  	[sflag:s0] =	ssyncadd.tile.s32 @!p0 $0x1;
	_ =	shalt  }
.Lfunc_end2:
_tile_overlayer_lowered:
.L_overlay_start_2:
0x257: {  	(tag) =	ssettag $0x2  }
0x258: {  	s0 =	rddreg [dreg:$0x0];
	s2 =	stileid.u32  }
0x259: {  	s1 =	rddreg [dreg:$0x1];
	p0 =	sne.s32 s2, $0x0  }
0x25a: {  	s3 =	rddreg [dreg:$0x2];
	[bflag:$0x3] =	sbarrier.arrive $0xFFFF;
	s2 =	simm.s32 @!p0 $0x1C02  }
0x25b: {  	[timem:s3], [sflag:s2] =	dma.local @!p0 [hbm:s0], s1  }
0x25c: {  	s0 =	simm.s32 @!p0 $0x2  }
0x25d: {  	_ =	swait.ge @!p0 [sflag:s0], s1  }
0x25e: {  	s1 =	ssub.s32 @!p0 $0x0, s1;
	[sflag:s0] =	ssyncset.done @!p0 $0x0  }
0x25f: {  	[sflag:s0] =	ssyncadd.s32 @!p0 s1  }
0x260: {  	[bflag:$0x3] =	sbarrier.arrive $0xFFFF  }
0x261: {  	_ =	shalt  }

</sc_bundles>
